<compile_context>
chip_gen: v7x
topology: tpu7x:2x2x1
jax: 0.10.2.dev20260603
libtpu: 0.0.44.dev20260713+nightly
codegen_flags: <defaults>
</compile_context>

<pallas_src>
import functools

import jax
import jax.numpy as jnp
from jax import lax
from jax.experimental import pallas as pl
from jax.experimental.pallas import tpu as pltpu
from jax.experimental.pallas import tpu_sc as plsc

_N = 10000
_D = 128
_G = 64
_NC = 2
_NS = 16
_NW = _NC * _NS
_CH = 128
_CHB = 79
_EPW = _CH * _CHB
_EPAD = _NW * _EPW
_NPAD = 10240
_NR = _NPAD // _CH
_KC = _D // _NW
_CE = 2048
_NCH = _EPAD // _CE

_mesh = plsc.VectorSubcoreMesh(core_axis_name="c", subcore_axis_name="s")


@functools.partial(
    pl.kernel,
    out_type=jax.ShapeDtypeStruct((_NC, _NS, _NPAD), jnp.float32),
    mesh=_mesh,
    scratch_types=[
        pltpu.VMEM((_CHB, _CH), jnp.int32),
        pltpu.VMEM((_NPAD,), jnp.float32),
    ],
    compiler_params=pltpu.CompilerParams(needs_layout_passes=False),
)
def _deg_kernel(dst_hbm, zeros_hbm, out_hbm, dst_v, deg_v):
    c = lax.axis_index("c")
    s = lax.axis_index("s")
    pltpu.sync_copy(zeros_hbm, deg_v)
    pltpu.sync_copy(dst_hbm.at[c, s], dst_v)
    ones = jnp.ones((16,), jnp.float32)

    def body(j, carry):
        idxs = [dst_v[j, pl.ds(k * 16, 16)] for k in range(_CH // 16)]
        for idx in idxs:
            plsc.addupdate_scatter(deg_v, [idx], ones)
        return carry

    lax.fori_loop(0, _CHB, body, 0)
    pltpu.sync_copy(deg_v, out_hbm.at[c, s])


@functools.partial(
    pl.kernel,
    out_type=jax.ShapeDtypeStruct((_D, _NPAD), jnp.float32),
    mesh=_mesh,
    scratch_types=(
        [pltpu.VMEM((_NPAD,), jnp.float32) for _ in range(2 * _KC)]
        + [pltpu.VMEM((_CE,), jnp.int32) for _ in range(4)]
        + [pltpu.SemaphoreType.DMA for _ in range(4)]
    ),
    compiler_params=pltpu.CompilerParams(needs_layout_passes=False),
)
def _agg_kernel(yt_hbm, src_hbm, dst_hbm, zeros_hbm, out_hbm,
                y0, y1, y2, y3, a0, a1, a2, a3,
                sb0, sb1, db0, db1, ss0, ss1, ds0, ds1):
    ys = (y0, y1, y2, y3)
    accs = (a0, a1, a2, a3)
    sbs = (sb0, sb1)
    dbs = (db0, db1)
    ssem = (ss0, ss1)
    dsem = (ds0, ds1)
    c = lax.axis_index("c")
    s = lax.axis_index("s")
    g4 = (c * _NS + s) * _KC
    for k in range(_KC):
        pltpu.sync_copy(yt_hbm.at[g4 + k], ys[k])
        pltpu.sync_copy(zeros_hbm, accs[k])

    def src_cp(ch, p):
        return pltpu.make_async_copy(
            src_hbm.at[pl.ds(ch * _CE, _CE)], sbs[p], ssem[p])

    def dst_cp(ch, p):
        return pltpu.make_async_copy(
            dst_hbm.at[pl.ds(ch * _CE, _CE)], dbs[p], dsem[p])

    src_cp(0, 0).start()
    dst_cp(0, 0).start()
    src_cp(1, 1).start()
    dst_cp(1, 1).start()

    def consume(p):
        def inner(i, carry):
            idss = []
            idds = []
            for u in range(16):
                off = i * 256 + u * 16
                idss.append(sbs[p][pl.ds(off, 16)])
                idds.append(dbs[p][pl.ds(off, 16)])
            for u in range(16):
                vs = [plsc.load_gather(ys[k], [idss[u]]) for k in range(_KC)]
                for k in range(_KC):
                    plsc.addupdate_scatter(accs[k], [idds[u]], vs[k])
            return carry

        lax.fori_loop(0, _CE // 256, inner, 0)

    def pair(g, carry):
        for p in range(2):
            ch = g * 2 + p
            src_cp(ch, p).wait()
            dst_cp(ch, p).wait()
            consume(p)
            nch = ch + 2

            @pl.when(nch < _NCH)
            def _():
                src_cp(nch, p).start()
                dst_cp(nch, p).start()

        return carry

    lax.fori_loop(0, _NCH // 2, pair, 0)
    for k in range(_KC):
        pltpu.sync_copy(accs[k], out_hbm.at[g4 + k])


def _dense_body(nf_ref, wet_ref, bet_ref, wct_ref, xwt_ref):
    xt = jnp.maximum(
        lax.dot_general(wet_ref[...], nf_ref[...], (((1,), (1,)), ((), ())),
                        preferred_element_type=jnp.float32)
        + bet_ref[...], 0.0)
    xt = jnp.concatenate(
        [xt, jnp.zeros((_D, _NPAD - _N), jnp.float32)], axis=1)
    xwt_ref[...] = jnp.dot(wct_ref[...], xt,
                           preferred_element_type=jnp.float32)


_dense = pl.pallas_call(
    _dense_body,
    out_shape=jax.ShapeDtypeStruct((_D, _NPAD), jnp.float32),
)


def _scale_body(xwt_ref, dp_ref, yt_ref, dinv_ref):
    degf = jnp.sum(dp_ref[...], axis=0)
    dinvt = lax.rsqrt(degf + 1.0)
    yt_ref[...] = xwt_ref[...] * dinvt
    dinv_ref[...] = dinvt


_scale = pl.pallas_call(
    _scale_body,
    out_shape=(
        jax.ShapeDtypeStruct((_D, _NPAD), jnp.float32),
        jax.ShapeDtypeStruct((1, _NPAD), jnp.float32),
    ),
)


def _post_body(at_ref, xwt_ref, dinv_ref, bct_ref, batch_ref,
               wl_ref, bl_ref, out_ref):
    dinv = dinv_ref[...]
    x2t = jnp.maximum(dinv * at_ref[...] + dinv * dinv * xwt_ref[...]
                      + bct_ref[...], 0.0)
    bi = lax.broadcasted_iota(jnp.int32, (_G, _NPAD), 0)
    sel = (batch_ref[...] == bi).astype(jnp.float32)
    psum = lax.dot_general(x2t, sel, (((1,), (1,)), ((), ())),
                           preferred_element_type=jnp.float32)
    cnt = lax.dot_general(jnp.ones((1, _NPAD), jnp.float32), sel,
                          (((1,), (1,)), ((), ())),
                          preferred_element_type=jnp.float32)
    pooled = psum / jnp.maximum(cnt, 1.0)
    out_ref[...] = lax.dot_general(pooled, wl_ref[...],
                                   (((0,), (0,)), ((), ())),
                                   preferred_element_type=jnp.float32) \
        + bl_ref[...]


_post = pl.pallas_call(
    _post_body,
    out_shape=jax.ShapeDtypeStruct((_G, 1), jnp.float32),
)


def kernel(node_features, edge_features, edge_index, batch,
           W_embed, b_embed, W_conv, b_conv, W_lin, b_lin):
    src = edge_index[0].astype(jnp.int32)
    dst = edge_index[1].astype(jnp.int32)
    pad = _EPAD - src.shape[0]
    src_p = jnp.concatenate([src, jnp.zeros((pad,), jnp.int32)])
    dst_p = jnp.concatenate([dst, jnp.full((pad,), _N, jnp.int32)])

    zeros_n = jnp.zeros((_NPAD,), jnp.float32)
    deg_parts = _deg_kernel(dst_p.reshape(_NC, _NS, _CHB, _CH), zeros_n)

    xwt = _dense(node_features, W_embed.T, b_embed.reshape(_D, 1), W_conv.T)
    yt, dinvt = _scale(xwt, deg_parts.reshape(_NW, 1, _NPAD))

    aggt = _agg_kernel(yt, src_p, dst_p, zeros_n)

    batch_t = jnp.concatenate(
        [batch.astype(jnp.int32), jnp.full((_NPAD - _N,), _G, jnp.int32)])
    out = _post(aggt, xwt, dinvt, b_conv.reshape(_D, 1),
                batch_t.reshape(1, _NPAD), W_lin, b_lin.reshape(1, 1))
    return out

# --- scband reference (transcript-rebuilt; emitter-appended) ---
"""Pipeline reference for scband-gcn-12481174962469 (READ-ONLY COPY).

The authoritative reference and input builder live on the scoring server;
editing this copy changes nothing except your own understanding.
"""

import jax, jax.numpy as jnp
import numpy as np

N = 10000
E = 320000
D_FEAT = 128
D_EDGE = 16
HIDDEN = 128
NUM_GRAPHS = 64


def setup_inputs(seed: int = 0) -> dict:
    key = jax.random.key(seed)
    ks = jax.random.split(key, 12)
    node_features = jax.random.normal(ks[0], (N, D_FEAT), dtype=jnp.float32)
    edge_features = jax.random.normal(ks[1], (E, D_EDGE), dtype=jnp.float32)
    edge_index = jax.random.randint(ks[2], (2, E), 0, N, dtype=jnp.int64)
    batch = jnp.sort(jax.random.randint(ks[3], (N,), 0, NUM_GRAPHS, dtype=jnp.int64))
    # learned parameters
    W_embed = jax.random.normal(ks[4], (D_FEAT, HIDDEN), dtype=jnp.float32) * (1.0 / np.sqrt(D_FEAT))
    b_embed = jnp.zeros((HIDDEN,), dtype=jnp.float32)
    W_conv = jax.random.normal(ks[5], (HIDDEN, HIDDEN), dtype=jnp.float32) * (1.0 / np.sqrt(HIDDEN))
    b_conv = jnp.zeros((HIDDEN,), dtype=jnp.float32)
    W_lin = jax.random.normal(ks[6], (HIDDEN, 1), dtype=jnp.float32) * (1.0 / np.sqrt(HIDDEN))
    b_lin = jnp.zeros((1,), dtype=jnp.float32)
    return {
        "node_features": node_features,
        "edge_features": edge_features,
        "edge_index": edge_index,
        "batch": batch,
        "W_embed": W_embed,
        "b_embed": b_embed,
        "W_conv": W_conv,
        "b_conv": b_conv,
        "W_lin": W_lin,
        "b_lin": b_lin,
    }


def reference(node_features, edge_features, edge_index, batch,
              W_embed, b_embed, W_conv, b_conv, W_lin, b_lin):
    # node embedding + relu
    x = jnp.maximum(node_features @ W_embed + b_embed, 0.0)

    # GCNConv(hidden, hidden): add self-loops, symmetric normalization
    xw = x @ W_conv
    loop = jnp.arange(N, dtype=edge_index.dtype)
    src = jnp.concatenate([edge_index[0], loop])
    dst = jnp.concatenate([edge_index[1], loop])
    deg = jnp.zeros((N,), dtype=jnp.float32).at[dst].add(1.0)
    dinv = jnp.where(deg > 0, jax.lax.rsqrt(deg), 0.0)
    norm = dinv[src] * dinv[dst]
    msg = xw[src] * norm[:, None]
    agg = jnp.zeros((N, HIDDEN), dtype=jnp.float32).at[dst].add(msg)
    x = jnp.maximum(agg + b_conv, 0.0)

    # global_mean_pool over batch ids
    sums = jax.ops.segment_sum(x, batch, num_segments=NUM_GRAPHS)
    counts = jax.ops.segment_sum(jnp.ones((N,), dtype=jnp.float32), batch, num_segments=NUM_GRAPHS)
    pooled = sums / jnp.clip(counts, 1.0)[:, None]

    out = pooled @ W_lin + b_lin
    return out

if __name__ == "__main__":
    import jax
    _d = setup_inputs()
    print(jax.jit(kernel)(*tuple(_d.values())))

</pallas_src>

<mosaic_0001>
#map = affine_map<(d0, d1) -> (0, 0)>
#map1 = affine_map<(d0, d1) -> (0)>
module attributes {stable_mosaic.version = 14 : i64} {
  func.func @_agg_kernel(%arg0: i32, %arg1: i32, %arg2: memref<128x10240xf32, #tpu.memory_space<hbm>>, %arg3: memref<323584xi32, #tpu.memory_space<hbm>>, %arg4: memref<323584xi32, #tpu.memory_space<hbm>>, %arg5: memref<10240xf32, #tpu.memory_space<hbm>>, %arg6: memref<128x10240xf32, #tpu.memory_space<hbm>>, %arg7: memref<10240xf32, #tpu.memory_space<vmem>>, %arg8: memref<10240xf32, #tpu.memory_space<vmem>>, %arg9: memref<10240xf32, #tpu.memory_space<vmem>>, %arg10: memref<10240xf32, #tpu.memory_space<vmem>>, %arg11: memref<10240xf32, #tpu.memory_space<vmem>>, %arg12: memref<10240xf32, #tpu.memory_space<vmem>>, %arg13: memref<10240xf32, #tpu.memory_space<vmem>>, %arg14: memref<10240xf32, #tpu.memory_space<vmem>>, %arg15: memref<2048xi32, #tpu.memory_space<vmem>>, %arg16: memref<2048xi32, #tpu.memory_space<vmem>>, %arg17: memref<2048xi32, #tpu.memory_space<vmem>>, %arg18: memref<2048xi32, #tpu.memory_space<vmem>>, %arg19: memref<!tpu.dma_semaphore, #tpu.memory_space<semaphore_mem>>, %arg20: memref<!tpu.dma_semaphore, #tpu.memory_space<semaphore_mem>>, %arg21: memref<!tpu.dma_semaphore, #tpu.memory_space<semaphore_mem>>, %arg22: memref<!tpu.dma_semaphore, #tpu.memory_space<semaphore_mem>>) attributes {dimension_semantics = [#tpu.dimension_semantics<core_parallel>, #tpu.dimension_semantics<subcore_parallel>], iteration_bounds = array<i64: 2, 16>, scalar_prefetch = 0 : i64, scratch_operands = 16 : i64, tpu.core_type = #tpu.core_type<sc_vector_subcore>, window_params = [{transform_indices = #map}, {transform_indices = #map1}, {transform_indices = #map1}, {transform_indices = #map1}, {transform_indices = #map}]} {
    %mul3A = arith.constant 16 : i32
    %mul3A_0 = arith.muli %arg0, %mul3A : i32
    %add3A = arith.addi %mul3A_0, %arg1 : i32
    %mul3A_1 = arith.constant 4 : i32
    %mul3A_2 = arith.muli %add3A, %mul3A_1 : i32
    %add3A_3 = arith.constant 0 : i32
    %add3A_4 = arith.addi %mul3A_2, %add3A_3 : i32
    "tpu.region"() ({
      %run_scoped3A = tpu.sem_alloc : memref<!tpu.dma_semaphore, #tpu.memory_space<semaphore_mem>>
      %dma_start3A_39 = arith.constant 0 : i32
      %dma_start3A_40 = tpu.memref_slice %arg2[%add3A_4, %dma_start3A_39] : memref<128x10240xf32, #tpu.memory_space<hbm>> -> memref<1x10240xf32, #tpu.memory_space<hbm>>
      %dma_start3A_41 = tpu.memref_squeeze %dma_start3A_40 : memref<1x10240xf32, #tpu.memory_space<hbm>> -> memref<10240xf32, #tpu.memory_space<hbm>>
      %dma_start3A_42 = arith.constant 0 : i32
      %dma_start3A_43 = tpu.memref_slice %arg2[%add3A_4, %dma_start3A_42] : memref<128x10240xf32, #tpu.memory_space<hbm>> -> memref<1x10240xf32, #tpu.memory_space<hbm>>
      %dma_start3A_44 = tpu.memref_squeeze %dma_start3A_43 : memref<1x10240xf32, #tpu.memory_space<hbm>> -> memref<10240xf32, #tpu.memory_space<hbm>>
      tpu.enqueue_dma source(%dma_start3A_44 : memref<10240xf32, #tpu.memory_space<hbm>>) target(%arg7 : memref<10240xf32, #tpu.memory_space<vmem>>) target_semaphore(%run_scoped3A : memref<!tpu.dma_semaphore, #tpu.memory_space<semaphore_mem>>)
      %dma_wait3A = arith.constant 0 : i32
      %dma_wait3A_45 = tpu.memref_slice %arg2[%add3A_4, %dma_wait3A] : memref<128x10240xf32, #tpu.memory_space<hbm>> -> memref<1x10240xf32, #tpu.memory_space<hbm>>
      %dma_wait3A_46 = tpu.memref_squeeze %dma_wait3A_45 : memref<1x10240xf32, #tpu.memory_space<hbm>> -> memref<10240xf32, #tpu.memory_space<hbm>>
      %dma_wait3A_47 = arith.constant 0 : i32
      %dma_wait3A_48 = tpu.memref_slice %arg2[%add3A_4, %dma_wait3A_47] : memref<128x10240xf32, #tpu.memory_space<hbm>> -> memref<1x10240xf32, #tpu.memory_space<hbm>>
      %dma_wait3A_49 = tpu.memref_squeeze %dma_wait3A_48 : memref<1x10240xf32, #tpu.memory_space<hbm>> -> memref<10240xf32, #tpu.memory_space<hbm>>
      tpu.wait_dma2 semaphore(%run_scoped3A : memref<!tpu.dma_semaphore, #tpu.memory_space<semaphore_mem>>) src(%dma_wait3A_49 : memref<10240xf32, #tpu.memory_space<hbm>>) dst(%arg7 : memref<10240xf32, #tpu.memory_space<vmem>>)
      tpu.yield
    }) : () -> ()
    "tpu.region"() ({
      %run_scoped3A = tpu.sem_alloc : memref<!tpu.dma_semaphore, #tpu.memory_space<semaphore_mem>>
      tpu.enqueue_dma source(%arg5 : memref<10240xf32, #tpu.memory_space<hbm>>) target(%arg11 : memref<10240xf32, #tpu.memory_space<vmem>>) target_semaphore(%run_scoped3A : memref<!tpu.dma_semaphore, #tpu.memory_space<semaphore_mem>>)
      tpu.wait_dma2 semaphore(%run_scoped3A : memref<!tpu.dma_semaphore, #tpu.memory_space<semaphore_mem>>) src(%arg5 : memref<10240xf32, #tpu.memory_space<hbm>>) dst(%arg11 : memref<10240xf32, #tpu.memory_space<vmem>>)
      tpu.yield
    }) : () -> ()
    %add3A_5 = arith.constant 1 : i32
    %add3A_6 = arith.addi %mul3A_2, %add3A_5 : i32
    "tpu.region"() ({
      %run_scoped3A = tpu.sem_alloc : memref<!tpu.dma_semaphore, #tpu.memory_space<semaphore_mem>>
      %dma_start3A_39 = arith.constant 0 : i32
      %dma_start3A_40 = tpu.memref_slice %arg2[%add3A_6, %dma_start3A_39] : memref<128x10240xf32, #tpu.memory_space<hbm>> -> memref<1x10240xf32, #tpu.memory_space<hbm>>
      %dma_start3A_41 = tpu.memref_squeeze %dma_start3A_40 : memref<1x10240xf32, #tpu.memory_space<hbm>> -> memref<10240xf32, #tpu.memory_space<hbm>>
      %dma_start3A_42 = arith.constant 0 : i32
      %dma_start3A_43 = tpu.memref_slice %arg2[%add3A_6, %dma_start3A_42] : memref<128x10240xf32, #tpu.memory_space<hbm>> -> memref<1x10240xf32, #tpu.memory_space<hbm>>
      %dma_start3A_44 = tpu.memref_squeeze %dma_start3A_43 : memref<1x10240xf32, #tpu.memory_space<hbm>> -> memref<10240xf32, #tpu.memory_space<hbm>>
      tpu.enqueue_dma source(%dma_start3A_44 : memref<10240xf32, #tpu.memory_space<hbm>>) target(%arg8 : memref<10240xf32, #tpu.memory_space<vmem>>) target_semaphore(%run_scoped3A : memref<!tpu.dma_semaphore, #tpu.memory_space<semaphore_mem>>)
      %dma_wait3A = arith.constant 0 : i32
      %dma_wait3A_45 = tpu.memref_slice %arg2[%add3A_6, %dma_wait3A] : memref<128x10240xf32, #tpu.memory_space<hbm>> -> memref<1x10240xf32, #tpu.memory_space<hbm>>
      %dma_wait3A_46 = tpu.memref_squeeze %dma_wait3A_45 : memref<1x10240xf32, #tpu.memory_space<hbm>> -> memref<10240xf32, #tpu.memory_space<hbm>>
      %dma_wait3A_47 = arith.constant 0 : i32
      %dma_wait3A_48 = tpu.memref_slice %arg2[%add3A_6, %dma_wait3A_47] : memref<128x10240xf32, #tpu.memory_space<hbm>> -> memref<1x10240xf32, #tpu.memory_space<hbm>>
      %dma_wait3A_49 = tpu.memref_squeeze %dma_wait3A_48 : memref<1x10240xf32, #tpu.memory_space<hbm>> -> memref<10240xf32, #tpu.memory_space<hbm>>
      tpu.wait_dma2 semaphore(%run_scoped3A : memref<!tpu.dma_semaphore, #tpu.memory_space<semaphore_mem>>) src(%dma_wait3A_49 : memref<10240xf32, #tpu.memory_space<hbm>>) dst(%arg8 : memref<10240xf32, #tpu.memory_space<vmem>>)
      tpu.yield
    }) : () -> ()
    "tpu.region"() ({
      %run_scoped3A = tpu.sem_alloc : memref<!tpu.dma_semaphore, #tpu.memory_space<semaphore_mem>>
      tpu.enqueue_dma source(%arg5 : memref<10240xf32, #tpu.memory_space<hbm>>) target(%arg12 : memref<10240xf32, #tpu.memory_space<vmem>>) target_semaphore(%run_scoped3A : memref<!tpu.dma_semaphore, #tpu.memory_space<semaphore_mem>>)
      tpu.wait_dma2 semaphore(%run_scoped3A : memref<!tpu.dma_semaphore, #tpu.memory_space<semaphore_mem>>) src(%arg5 : memref<10240xf32, #tpu.memory_space<hbm>>) dst(%arg12 : memref<10240xf32, #tpu.memory_space<vmem>>)
      tpu.yield
    }) : () -> ()
    %add3A_7 = arith.constant 2 : i32
    %add3A_8 = arith.addi %mul3A_2, %add3A_7 : i32
    "tpu.region"() ({
      %run_scoped3A = tpu.sem_alloc : memref<!tpu.dma_semaphore, #tpu.memory_space<semaphore_mem>>
      %dma_start3A_39 = arith.constant 0 : i32
      %dma_start3A_40 = tpu.memref_slice %arg2[%add3A_8, %dma_start3A_39] : memref<128x10240xf32, #tpu.memory_space<hbm>> -> memref<1x10240xf32, #tpu.memory_space<hbm>>
      %dma_start3A_41 = tpu.memref_squeeze %dma_start3A_40 : memref<1x10240xf32, #tpu.memory_space<hbm>> -> memref<10240xf32, #tpu.memory_space<hbm>>
      %dma_start3A_42 = arith.constant 0 : i32
      %dma_start3A_43 = tpu.memref_slice %arg2[%add3A_8, %dma_start3A_42] : memref<128x10240xf32, #tpu.memory_space<hbm>> -> memref<1x10240xf32, #tpu.memory_space<hbm>>
      %dma_start3A_44 = tpu.memref_squeeze %dma_start3A_43 : memref<1x10240xf32, #tpu.memory_space<hbm>> -> memref<10240xf32, #tpu.memory_space<hbm>>
      tpu.enqueue_dma source(%dma_start3A_44 : memref<10240xf32, #tpu.memory_space<hbm>>) target(%arg9 : memref<10240xf32, #tpu.memory_space<vmem>>) target_semaphore(%run_scoped3A : memref<!tpu.dma_semaphore, #tpu.memory_space<semaphore_mem>>)
      %dma_wait3A = arith.constant 0 : i32
      %dma_wait3A_45 = tpu.memref_slice %arg2[%add3A_8, %dma_wait3A] : memref<128x10240xf32, #tpu.memory_space<hbm>> -> memref<1x10240xf32, #tpu.memory_space<hbm>>
      %dma_wait3A_46 = tpu.memref_squeeze %dma_wait3A_45 : memref<1x10240xf32, #tpu.memory_space<hbm>> -> memref<10240xf32, #tpu.memory_space<hbm>>
      %dma_wait3A_47 = arith.constant 0 : i32
      %dma_wait3A_48 = tpu.memref_slice %arg2[%add3A_8, %dma_wait3A_47] : memref<128x10240xf32, #tpu.memory_space<hbm>> -> memref<1x10240xf32, #tpu.memory_space<hbm>>
      %dma_wait3A_49 = tpu.memref_squeeze %dma_wait3A_48 : memref<1x10240xf32, #tpu.memory_space<hbm>> -> memref<10240xf32, #tpu.memory_space<hbm>>
      tpu.wait_dma2 semaphore(%run_scoped3A : memref<!tpu.dma_semaphore, #tpu.memory_space<semaphore_mem>>) src(%dma_wait3A_49 : memref<10240xf32, #tpu.memory_space<hbm>>) dst(%arg9 : memref<10240xf32, #tpu.memory_space<vmem>>)
      tpu.yield
    }) : () -> ()
    "tpu.region"() ({
      %run_scoped3A = tpu.sem_alloc : memref<!tpu.dma_semaphore, #tpu.memory_space<semaphore_mem>>
      tpu.enqueue_dma source(%arg5 : memref<10240xf32, #tpu.memory_space<hbm>>) target(%arg13 : memref<10240xf32, #tpu.memory_space<vmem>>) target_semaphore(%run_scoped3A : memref<!tpu.dma_semaphore, #tpu.memory_space<semaphore_mem>>)
      tpu.wait_dma2 semaphore(%run_scoped3A : memref<!tpu.dma_semaphore, #tpu.memory_space<semaphore_mem>>) src(%arg5 : memref<10240xf32, #tpu.memory_space<hbm>>) dst(%arg13 : memref<10240xf32, #tpu.memory_space<vmem>>)
      tpu.yield
    }) : () -> ()
    %add3A_9 = arith.constant 3 : i32
    %add3A_10 = arith.addi %mul3A_2, %add3A_9 : i32
    "tpu.region"() ({
      %run_scoped3A = tpu.sem_alloc : memref<!tpu.dma_semaphore, #tpu.memory_space<semaphore_mem>>
      %dma_start3A_39 = arith.constant 0 : i32
      %dma_start3A_40 = tpu.memref_slice %arg2[%add3A_10, %dma_start3A_39] : memref<128x10240xf32, #tpu.memory_space<hbm>> -> memref<1x10240xf32, #tpu.memory_space<hbm>>
      %dma_start3A_41 = tpu.memref_squeeze %dma_start3A_40 : memref<1x10240xf32, #tpu.memory_space<hbm>> -> memref<10240xf32, #tpu.memory_space<hbm>>
      %dma_start3A_42 = arith.constant 0 : i32
      %dma_start3A_43 = tpu.memref_slice %arg2[%add3A_10, %dma_start3A_42] : memref<128x10240xf32, #tpu.memory_space<hbm>> -> memref<1x10240xf32, #tpu.memory_space<hbm>>
      %dma_start3A_44 = tpu.memref_squeeze %dma_start3A_43 : memref<1x10240xf32, #tpu.memory_space<hbm>> -> memref<10240xf32, #tpu.memory_space<hbm>>
      tpu.enqueue_dma source(%dma_start3A_44 : memref<10240xf32, #tpu.memory_space<hbm>>) target(%arg10 : memref<10240xf32, #tpu.memory_space<vmem>>) target_semaphore(%run_scoped3A : memref<!tpu.dma_semaphore, #tpu.memory_space<semaphore_mem>>)
      %dma_wait3A = arith.constant 0 : i32
      %dma_wait3A_45 = tpu.memref_slice %arg2[%add3A_10, %dma_wait3A] : memref<128x10240xf32, #tpu.memory_space<hbm>> -> memref<1x10240xf32, #tpu.memory_space<hbm>>
      %dma_wait3A_46 = tpu.memref_squeeze %dma_wait3A_45 : memref<1x10240xf32, #tpu.memory_space<hbm>> -> memref<10240xf32, #tpu.memory_space<hbm>>
      %dma_wait3A_47 = arith.constant 0 : i32
      %dma_wait3A_48 = tpu.memref_slice %arg2[%add3A_10, %dma_wait3A_47] : memref<128x10240xf32, #tpu.memory_space<hbm>> -> memref<1x10240xf32, #tpu.memory_space<hbm>>
      %dma_wait3A_49 = tpu.memref_squeeze %dma_wait3A_48 : memref<1x10240xf32, #tpu.memory_space<hbm>> -> memref<10240xf32, #tpu.memory_space<hbm>>
      tpu.wait_dma2 semaphore(%run_scoped3A : memref<!tpu.dma_semaphore, #tpu.memory_space<semaphore_mem>>) src(%dma_wait3A_49 : memref<10240xf32, #tpu.memory_space<hbm>>) dst(%arg10 : memref<10240xf32, #tpu.memory_space<vmem>>)
      tpu.yield
    }) : () -> ()
    "tpu.region"() ({
      %run_scoped3A = tpu.sem_alloc : memref<!tpu.dma_semaphore, #tpu.memory_space<semaphore_mem>>
      tpu.enqueue_dma source(%arg5 : memref<10240xf32, #tpu.memory_space<hbm>>) target(%arg14 : memref<10240xf32, #tpu.memory_space<vmem>>) target_semaphore(%run_scoped3A : memref<!tpu.dma_semaphore, #tpu.memory_space<semaphore_mem>>)
      tpu.wait_dma2 semaphore(%run_scoped3A : memref<!tpu.dma_semaphore, #tpu.memory_space<semaphore_mem>>) src(%arg5 : memref<10240xf32, #tpu.memory_space<hbm>>) dst(%arg14 : memref<10240xf32, #tpu.memory_space<vmem>>)
      tpu.yield
    }) : () -> ()
    %dma_start3A = arith.constant 0 : i32
    %dma_start3A_11 = tpu.memref_slice %arg3[%dma_start3A] : memref<323584xi32, #tpu.memory_space<hbm>> -> memref<2048xi32, #tpu.memory_space<hbm>>
    %dma_start3A_12 = arith.constant 0 : i32
    %dma_start3A_13 = tpu.memref_slice %arg3[%dma_start3A_12] : memref<323584xi32, #tpu.memory_space<hbm>> -> memref<2048xi32, #tpu.memory_space<hbm>>
    tpu.enqueue_dma source(%dma_start3A_13 : memref<2048xi32, #tpu.memory_space<hbm>>) target(%arg15 : memref<2048xi32, #tpu.memory_space<vmem>>) target_semaphore(%arg19 : memref<!tpu.dma_semaphore, #tpu.memory_space<semaphore_mem>>)
    %dma_start3A_14 = arith.constant 0 : i32
    %dma_start3A_15 = tpu.memref_slice %arg4[%dma_start3A_14] : memref<323584xi32, #tpu.memory_space<hbm>> -> memref<2048xi32, #tpu.memory_space<hbm>>
    %dma_start3A_16 = arith.constant 0 : i32
    %dma_start3A_17 = tpu.memref_slice %arg4[%dma_start3A_16] : memref<323584xi32, #tpu.memory_space<hbm>> -> memref<2048xi32, #tpu.memory_space<hbm>>
    tpu.enqueue_dma source(%dma_start3A_17 : memref<2048xi32, #tpu.memory_space<hbm>>) target(%arg17 : memref<2048xi32, #tpu.memory_space<vmem>>) target_semaphore(%arg21 : memref<!tpu.dma_semaphore, #tpu.memory_space<semaphore_mem>>)
    %dma_start3A_18 = arith.constant 2048 : i32
    %dma_start3A_19 = tpu.memref_slice %arg3[%dma_start3A_18] : memref<323584xi32, #tpu.memory_space<hbm>> -> memref<2048xi32, #tpu.memory_space<hbm>>
    %dma_start3A_20 = arith.constant 2048 : i32
    %dma_start3A_21 = tpu.memref_slice %arg3[%dma_start3A_20] : memref<323584xi32, #tpu.memory_space<hbm>> -> memref<2048xi32, #tpu.memory_space<hbm>>
    tpu.enqueue_dma source(%dma_start3A_21 : memref<2048xi32, #tpu.memory_space<hbm>>) target(%arg16 : memref<2048xi32, #tpu.memory_space<vmem>>) target_semaphore(%arg20 : memref<!tpu.dma_semaphore, #tpu.memory_space<semaphore_mem>>)
    %dma_start3A_22 = arith.constant 2048 : i32
    %dma_start3A_23 = tpu.memref_slice %arg4[%dma_start3A_22] : memref<323584xi32, #tpu.memory_space<hbm>> -> memref<2048xi32, #tpu.memory_space<hbm>>
    %dma_start3A_24 = arith.constant 2048 : i32
    %dma_start3A_25 = tpu.memref_slice %arg4[%dma_start3A_24] : memref<323584xi32, #tpu.memory_space<hbm>> -> memref<2048xi32, #tpu.memory_space<hbm>>
    tpu.enqueue_dma source(%dma_start3A_25 : memref<2048xi32, #tpu.memory_space<hbm>>) target(%arg18 : memref<2048xi32, #tpu.memory_space<vmem>>) target_semaphore(%arg22 : memref<!tpu.dma_semaphore, #tpu.memory_space<semaphore_mem>>)
    %scan3A = arith.constant 0 : i32
    %scan3A_26 = arith.constant 0 : i32
    %scan3A_27 = arith.constant 79 : i32
    %scan3A_28 = arith.addi %scan3A_26, %scan3A_27 : i32
    %scan3A_29 = arith.constant 1 : i32
    scf.for %scan3A_39 = %scan3A_26 to %scan3A_28 step %scan3A_29  : i32 {
      %mul3A_40 = arith.constant 2 : i32
      %mul3A_41 = arith.muli %scan3A_39, %mul3A_40 : i32
      %add3A_42 = arith.constant 0 : i32
      %add3A_43 = arith.addi %mul3A_41, %add3A_42 : i32
      %mul3A_44 = arith.constant 2048 : i32
      %mul3A_45 = arith.muli %add3A_43, %mul3A_44 : i32
      %dma_wait3A = tpu.memref_slice %arg3[%mul3A_45] : memref<323584xi32, #tpu.memory_space<hbm>> -> memref<2048xi32, #tpu.memory_space<hbm>>
      %dma_wait3A_46 = tpu.memref_slice %arg3[%mul3A_45] : memref<323584xi32, #tpu.memory_space<hbm>> -> memref<2048xi32, #tpu.memory_space<hbm>>
      tpu.wait_dma2 semaphore(%arg19 : memref<!tpu.dma_semaphore, #tpu.memory_space<semaphore_mem>>) src(%dma_wait3A_46 : memref<2048xi32, #tpu.memory_space<hbm>>) dst(%arg15 : memref<2048xi32, #tpu.memory_space<vmem>>)
      %mul3A_47 = arith.constant 2048 : i32
      %mul3A_48 = arith.muli %add3A_43, %mul3A_47 : i32
      %dma_wait3A_49 = tpu.memref_slice %arg4[%mul3A_48] : memref<323584xi32, #tpu.memory_space<hbm>> -> memref<2048xi32, #tpu.memory_space<hbm>>
      %dma_wait3A_50 = tpu.memref_slice %arg4[%mul3A_48] : memref<323584xi32, #tpu.memory_space<hbm>> -> memref<2048xi32, #tpu.memory_space<hbm>>
      tpu.wait_dma2 semaphore(%arg21 : memref<!tpu.dma_semaphore, #tpu.memory_space<semaphore_mem>>) src(%dma_wait3A_50 : memref<2048xi32, #tpu.memory_space<hbm>>) dst(%arg17 : memref<2048xi32, #tpu.memory_space<vmem>>)
      %scan3A_51 = arith.constant 0 : i32
      %scan3A_52 = arith.constant 0 : i32
      %scan3A_53 = arith.constant 8 : i32
      %scan3A_54 = arith.addi %scan3A_52, %scan3A_53 : i32
      %scan3A_55 = arith.constant 1 : i32
      scf.for %scan3A_86 = %scan3A_52 to %scan3A_54 step %scan3A_55  : i32 {
        %mul3A_87 = arith.constant 256 : i32
        %mul3A_88 = arith.muli %scan3A_86, %mul3A_87 : i32
        %add3A_89 = arith.constant 0 : i32
        %add3A_90 = arith.addi %mul3A_88, %add3A_89 : i32
        %get3A = arith.index_cast %add3A_90 : i32 to index
        %get3A_91 = tpu.vector_load %arg15[%get3A] {strides = array<i32>} : memref<2048xi32, #tpu.memory_space<vmem>>, vector<16xi32>,
        %get3A_92 = arith.index_cast %add3A_90 : i32 to index
        %get3A_93 = tpu.vector_load %arg17[%get3A_92] {strides = array<i32>} : memref<2048xi32, #tpu.memory_space<vmem>>, vector<16xi32>,
        %mul3A_94 = arith.constant 256 : i32
        %mul3A_95 = arith.muli %scan3A_86, %mul3A_94 : i32
        %add3A_96 = arith.constant 16 : i32
        %add3A_97 = arith.addi %mul3A_95, %add3A_96 : i32
        %get3A_98 = arith.index_cast %add3A_97 : i32 to index
        %get3A_99 = tpu.vector_load %arg15[%get3A_98] {strides = array<i32>} : memref<2048xi32, #tpu.memory_space<vmem>>, vector<16xi32>,
        %get3A_100 = arith.index_cast %add3A_97 : i32 to index
        %get3A_101 = tpu.vector_load %arg17[%get3A_100] {strides = array<i32>} : memref<2048xi32, #tpu.memory_space<vmem>>, vector<16xi32>,
        %mul3A_102 = arith.constant 256 : i32
        %mul3A_103 = arith.muli %scan3A_86, %mul3A_102 : i32
        %add3A_104 = arith.constant 32 : i32
        %add3A_105 = arith.addi %mul3A_103, %add3A_104 : i32
        %get3A_106 = arith.index_cast %add3A_105 : i32 to index
        %get3A_107 = tpu.vector_load %arg15[%get3A_106] {strides = array<i32>} : memref<2048xi32, #tpu.memory_space<vmem>>, vector<16xi32>,
        %get3A_108 = arith.index_cast %add3A_105 : i32 to index
        %get3A_109 = tpu.vector_load %arg17[%get3A_108] {strides = array<i32>} : memref<2048xi32, #tpu.memory_space<vmem>>, vector<16xi32>,
        %mul3A_110 = arith.constant 256 : i32
        %mul3A_111 = arith.muli %scan3A_86, %mul3A_110 : i32
        %add3A_112 = arith.constant 48 : i32
        %add3A_113 = arith.addi %mul3A_111, %add3A_112 : i32
        %get3A_114 = arith.index_cast %add3A_113 : i32 to index
        %get3A_115 = tpu.vector_load %arg15[%get3A_114] {strides = array<i32>} : memref<2048xi32, #tpu.memory_space<vmem>>, vector<16xi32>,
        %get3A_116 = arith.index_cast %add3A_113 : i32 to index
        %get3A_117 = tpu.vector_load %arg17[%get3A_116] {strides = array<i32>} : memref<2048xi32, #tpu.memory_space<vmem>>, vector<16xi32>,
        %mul3A_118 = arith.constant 256 : i32
        %mul3A_119 = arith.muli %scan3A_86, %mul3A_118 : i32
        %add3A_120 = arith.constant 64 : i32
        %add3A_121 = arith.addi %mul3A_119, %add3A_120 : i32
        %get3A_122 = arith.index_cast %add3A_121 : i32 to index
        %get3A_123 = tpu.vector_load %arg15[%get3A_122] {strides = array<i32>} : memref<2048xi32, #tpu.memory_space<vmem>>, vector<16xi32>,
        %get3A_124 = arith.index_cast %add3A_121 : i32 to index
        %get3A_125 = tpu.vector_load %arg17[%get3A_124] {strides = array<i32>} : memref<2048xi32, #tpu.memory_space<vmem>>, vector<16xi32>,
        %mul3A_126 = arith.constant 256 : i32
        %mul3A_127 = arith.muli %scan3A_86, %mul3A_126 : i32
        %add3A_128 = arith.constant 80 : i32
        %add3A_129 = arith.addi %mul3A_127, %add3A_128 : i32
        %get3A_130 = arith.index_cast %add3A_129 : i32 to index
        %get3A_131 = tpu.vector_load %arg15[%get3A_130] {strides = array<i32>} : memref<2048xi32, #tpu.memory_space<vmem>>, vector<16xi32>,
        %get3A_132 = arith.index_cast %add3A_129 : i32 to index
        %get3A_133 = tpu.vector_load %arg17[%get3A_132] {strides = array<i32>} : memref<2048xi32, #tpu.memory_space<vmem>>, vector<16xi32>,
        %mul3A_134 = arith.constant 256 : i32
        %mul3A_135 = arith.muli %scan3A_86, %mul3A_134 : i32
        %add3A_136 = arith.constant 96 : i32
        %add3A_137 = arith.addi %mul3A_135, %add3A_136 : i32
        %get3A_138 = arith.index_cast %add3A_137 : i32 to index
        %get3A_139 = tpu.vector_load %arg15[%get3A_138] {strides = array<i32>} : memref<2048xi32, #tpu.memory_space<vmem>>, vector<16xi32>,
        %get3A_140 = arith.index_cast %add3A_137 : i32 to index
        %get3A_141 = tpu.vector_load %arg17[%get3A_140] {strides = array<i32>} : memref<2048xi32, #tpu.memory_space<vmem>>, vector<16xi32>,
        %mul3A_142 = arith.constant 256 : i32
        %mul3A_143 = arith.muli %scan3A_86, %mul3A_142 : i32
        %add3A_144 = arith.constant 112 : i32
        %add3A_145 = arith.addi %mul3A_143, %add3A_144 : i32
        %get3A_146 = arith.index_cast %add3A_145 : i32 to index
        %get3A_147 = tpu.vector_load %arg15[%get3A_146] {strides = array<i32>} : memref<2048xi32, #tpu.memory_space<vmem>>, vector<16xi32>,
        %get3A_148 = arith.index_cast %add3A_145 : i32 to index
        %get3A_149 = tpu.vector_load %arg17[%get3A_148] {strides = array<i32>} : memref<2048xi32, #tpu.memory_space<vmem>>, vector<16xi32>,
        %mul3A_150 = arith.constant 256 : i32
        %mul3A_151 = arith.muli %scan3A_86, %mul3A_150 : i32
        %add3A_152 = arith.constant 128 : i32
        %add3A_153 = arith.addi %mul3A_151, %add3A_152 : i32
        %get3A_154 = arith.index_cast %add3A_153 : i32 to index
        %get3A_155 = tpu.vector_load %arg15[%get3A_154] {strides = array<i32>} : memref<2048xi32, #tpu.memory_space<vmem>>, vector<16xi32>,
        %get3A_156 = arith.index_cast %add3A_153 : i32 to index
        %get3A_157 = tpu.vector_load %arg17[%get3A_156] {strides = array<i32>} : memref<2048xi32, #tpu.memory_space<vmem>>, vector<16xi32>,
        %mul3A_158 = arith.constant 256 : i32
        %mul3A_159 = arith.muli %scan3A_86, %mul3A_158 : i32
        %add3A_160 = arith.constant 144 : i32
        %add3A_161 = arith.addi %mul3A_159, %add3A_160 : i32
        %get3A_162 = arith.index_cast %add3A_161 : i32 to index
        %get3A_163 = tpu.vector_load %arg15[%get3A_162] {strides = array<i32>} : memref<2048xi32, #tpu.memory_space<vmem>>, vector<16xi32>,
        %get3A_164 = arith.index_cast %add3A_161 : i32 to index
        %get3A_165 = tpu.vector_load %arg17[%get3A_164] {strides = array<i32>} : memref<2048xi32, #tpu.memory_space<vmem>>, vector<16xi32>,
        %mul3A_166 = arith.constant 256 : i32
        %mul3A_167 = arith.muli %scan3A_86, %mul3A_166 : i32
        %add3A_168 = arith.constant 160 : i32
        %add3A_169 = arith.addi %mul3A_167, %add3A_168 : i32
        %get3A_170 = arith.index_cast %add3A_169 : i32 to index
        %get3A_171 = tpu.vector_load %arg15[%get3A_170] {strides = array<i32>} : memref<2048xi32, #tpu.memory_space<vmem>>, vector<16xi32>,
        %get3A_172 = arith.index_cast %add3A_169 : i32 to index
        %get3A_173 = tpu.vector_load %arg17[%get3A_172] {strides = array<i32>} : memref<2048xi32, #tpu.memory_space<vmem>>, vector<16xi32>,
        %mul3A_174 = arith.constant 256 : i32
        %mul3A_175 = arith.muli %scan3A_86, %mul3A_174 : i32
        %add3A_176 = arith.constant 176 : i32
        %add3A_177 = arith.addi %mul3A_175, %add3A_176 : i32
        %get3A_178 = arith.index_cast %add3A_177 : i32 to index
        %get3A_179 = tpu.vector_load %arg15[%get3A_178] {strides = array<i32>} : memref<2048xi32, #tpu.memory_space<vmem>>, vector<16xi32>,
        %get3A_180 = arith.index_cast %add3A_177 : i32 to index
        %get3A_181 = tpu.vector_load %arg17[%get3A_180] {strides = array<i32>} : memref<2048xi32, #tpu.memory_space<vmem>>, vector<16xi32>,
        %mul3A_182 = arith.constant 256 : i32
        %mul3A_183 = arith.muli %scan3A_86, %mul3A_182 : i32
        %add3A_184 = arith.constant 192 : i32
        %add3A_185 = arith.addi %mul3A_183, %add3A_184 : i32
        %get3A_186 = arith.index_cast %add3A_185 : i32 to index
        %get3A_187 = tpu.vector_load %arg15[%get3A_186] {strides = array<i32>} : memref<2048xi32, #tpu.memory_space<vmem>>, vector<16xi32>,
        %get3A_188 = arith.index_cast %add3A_185 : i32 to index
        %get3A_189 = tpu.vector_load %arg17[%get3A_188] {strides = array<i32>} : memref<2048xi32, #tpu.memory_space<vmem>>, vector<16xi32>,
        %mul3A_190 = arith.constant 256 : i32
        %mul3A_191 = arith.muli %scan3A_86, %mul3A_190 : i32
        %add3A_192 = arith.constant 208 : i32
        %add3A_193 = arith.addi %mul3A_191, %add3A_192 : i32
        %get3A_194 = arith.index_cast %add3A_193 : i32 to index
        %get3A_195 = tpu.vector_load %arg15[%get3A_194] {strides = array<i32>} : memref<2048xi32, #tpu.memory_space<vmem>>, vector<16xi32>,
        %get3A_196 = arith.index_cast %add3A_193 : i32 to index
        %get3A_197 = tpu.vector_load %arg17[%get3A_196] {strides = array<i32>} : memref<2048xi32, #tpu.memory_space<vmem>>, vector<16xi32>,
        %mul3A_198 = arith.constant 256 : i32
        %mul3A_199 = arith.muli %scan3A_86, %mul3A_198 : i32
        %add3A_200 = arith.constant 224 : i32
        %add3A_201 = arith.addi %mul3A_199, %add3A_200 : i32
        %get3A_202 = arith.index_cast %add3A_201 : i32 to index
        %get3A_203 = tpu.vector_load %arg15[%get3A_202] {strides = array<i32>} : memref<2048xi32, #tpu.memory_space<vmem>>, vector<16xi32>,
        %get3A_204 = arith.index_cast %add3A_201 : i32 to index
        %get3A_205 = tpu.vector_load %arg17[%get3A_204] {strides = array<i32>} : memref<2048xi32, #tpu.memory_space<vmem>>, vector<16xi32>,
        %mul3A_206 = arith.constant 256 : i32
        %mul3A_207 = arith.muli %scan3A_86, %mul3A_206 : i32
        %add3A_208 = arith.constant 240 : i32
        %add3A_209 = arith.addi %mul3A_207, %add3A_208 : i32
        %get3A_210 = arith.index_cast %add3A_209 : i32 to index
        %get3A_211 = tpu.vector_load %arg15[%get3A_210] {strides = array<i32>} : memref<2048xi32, #tpu.memory_space<vmem>>, vector<16xi32>,
        %get3A_212 = arith.index_cast %add3A_209 : i32 to index
        %get3A_213 = tpu.vector_load %arg17[%get3A_212] {strides = array<i32>} : memref<2048xi32, #tpu.memory_space<vmem>>, vector<16xi32>,
        %gather3A = tpu.vector_load_idx %arg7[%get3A_91] : memref<10240xf32, #tpu.memory_space<vmem>>[vector<16xi32>], vector<16xf32>,
        %gather3A_214 = tpu.vector_load_idx %arg8[%get3A_91] : memref<10240xf32, #tpu.memory_space<vmem>>[vector<16xi32>], vector<16xf32>,
        %gather3A_215 = tpu.vector_load_idx %arg9[%get3A_91] : memref<10240xf32, #tpu.memory_space<vmem>>[vector<16xi32>], vector<16xf32>,
        %gather3A_216 = tpu.vector_load_idx %arg10[%get3A_91] : memref<10240xf32, #tpu.memory_space<vmem>>[vector<16xi32>], vector<16xf32>,
        tpu.vector_store_idx %arg11[%get3A_93], %gather3A {add = true} : memref<10240xf32, #tpu.memory_space<vmem>>[vector<16xi32>], vector<16xf32>,
        tpu.vector_store_idx %arg12[%get3A_93], %gather3A_214 {add = true} : memref<10240xf32, #tpu.memory_space<vmem>>[vector<16xi32>], vector<16xf32>,
        tpu.vector_store_idx %arg13[%get3A_93], %gather3A_215 {add = true} : memref<10240xf32, #tpu.memory_space<vmem>>[vector<16xi32>], vector<16xf32>,
        tpu.vector_store_idx %arg14[%get3A_93], %gather3A_216 {add = true} : memref<10240xf32, #tpu.memory_space<vmem>>[vector<16xi32>], vector<16xf32>,
        %gather3A_217 = tpu.vector_load_idx %arg7[%get3A_99] : memref<10240xf32, #tpu.memory_space<vmem>>[vector<16xi32>], vector<16xf32>,
        %gather3A_218 = tpu.vector_load_idx %arg8[%get3A_99] : memref<10240xf32, #tpu.memory_space<vmem>>[vector<16xi32>], vector<16xf32>,
        %gather3A_219 = tpu.vector_load_idx %arg9[%get3A_99] : memref<10240xf32, #tpu.memory_space<vmem>>[vector<16xi32>], vector<16xf32>,
        %gather3A_220 = tpu.vector_load_idx %arg10[%get3A_99] : memref<10240xf32, #tpu.memory_space<vmem>>[vector<16xi32>], vector<16xf32>,
        tpu.vector_store_idx %arg11[%get3A_101], %gather3A_217 {add = true} : memref<10240xf32, #tpu.memory_space<vmem>>[vector<16xi32>], vector<16xf32>,
        tpu.vector_store_idx %arg12[%get3A_101], %gather3A_218 {add = true} : memref<10240xf32, #tpu.memory_space<vmem>>[vector<16xi32>], vector<16xf32>,
        tpu.vector_store_idx %arg13[%get3A_101], %gather3A_219 {add = true} : memref<10240xf32, #tpu.memory_space<vmem>>[vector<16xi32>], vector<16xf32>,
        tpu.vector_store_idx %arg14[%get3A_101], %gather3A_220 {add = true} : memref<10240xf32, #tpu.memory_space<vmem>>[vector<16xi32>], vector<16xf32>,
        %gather3A_221 = tpu.vector_load_idx %arg7[%get3A_107] : memref<10240xf32, #tpu.memory_space<vmem>>[vector<16xi32>], vector<16xf32>,
        %gather3A_222 = tpu.vector_load_idx %arg8[%get3A_107] : memref<10240xf32, #tpu.memory_space<vmem>>[vector<16xi32>], vector<16xf32>,
        %gather3A_223 = tpu.vector_load_idx %arg9[%get3A_107] : memref<10240xf32, #tpu.memory_space<vmem>>[vector<16xi32>], vector<16xf32>,
        %gather3A_224 = tpu.vector_load_idx %arg10[%get3A_107] : memref<10240xf32, #tpu.memory_space<vmem>>[vector<16xi32>], vector<16xf32>,
        tpu.vector_store_idx %arg11[%get3A_109], %gather3A_221 {add = true} : memref<10240xf32, #tpu.memory_space<vmem>>[vector<16xi32>], vector<16xf32>,
        tpu.vector_store_idx %arg12[%get3A_109], %gather3A_222 {add = true} : memref<10240xf32, #tpu.memory_space<vmem>>[vector<16xi32>], vector<16xf32>,
        tpu.vector_store_idx %arg13[%get3A_109], %gather3A_223 {add = true} : memref<10240xf32, #tpu.memory_space<vmem>>[vector<16xi32>], vector<16xf32>,
        tpu.vector_store_idx %arg14[%get3A_109], %gather3A_224 {add = true} : memref<10240xf32, #tpu.memory_space<vmem>>[vector<16xi32>], vector<16xf32>,
        %gather3A_225 = tpu.vector_load_idx %arg7[%get3A_115] : memref<10240xf32, #tpu.memory_space<vmem>>[vector<16xi32>], vector<16xf32>,
        %gather3A_226 = tpu.vector_load_idx %arg8[%get3A_115] : memref<10240xf32, #tpu.memory_space<vmem>>[vector<16xi32>], vector<16xf32>,
        %gather3A_227 = tpu.vector_load_idx %arg9[%get3A_115] : memref<10240xf32, #tpu.memory_space<vmem>>[vector<16xi32>], vector<16xf32>,
        %gather3A_228 = tpu.vector_load_idx %arg10[%get3A_115] : memref<10240xf32, #tpu.memory_space<vmem>>[vector<16xi32>], vector<16xf32>,
        tpu.vector_store_idx %arg11[%get3A_117], %gather3A_225 {add = true} : memref<10240xf32, #tpu.memory_space<vmem>>[vector<16xi32>], vector<16xf32>,
        tpu.vector_store_idx %arg12[%get3A_117], %gather3A_226 {add = true} : memref<10240xf32, #tpu.memory_space<vmem>>[vector<16xi32>], vector<16xf32>,
        tpu.vector_store_idx %arg13[%get3A_117], %gather3A_227 {add = true} : memref<10240xf32, #tpu.memory_space<vmem>>[vector<16xi32>], vector<16xf32>,
        tpu.vector_store_idx %arg14[%get3A_117], %gather3A_228 {add = true} : memref<10240xf32, #tpu.memory_space<vmem>>[vector<16xi32>], vector<16xf32>,
        %gather3A_229 = tpu.vector_load_idx %arg7[%get3A_123] : memref<10240xf32, #tpu.memory_space<vmem>>[vector<16xi32>], vector<16xf32>,
        %gather3A_230 = tpu.vector_load_idx %arg8[%get3A_123] : memref<10240xf32, #tpu.memory_space<vmem>>[vector<16xi32>], vector<16xf32>,
        %gather3A_231 = tpu.vector_load_idx %arg9[%get3A_123] : memref<10240xf32, #tpu.memory_space<vmem>>[vector<16xi32>], vector<16xf32>,
        %gather3A_232 = tpu.vector_load_idx %arg10[%get3A_123] : memref<10240xf32, #tpu.memory_space<vmem>>[vector<16xi32>], vector<16xf32>,
        tpu.vector_store_idx %arg11[%get3A_125], %gather3A_229 {add = true} : memref<10240xf32, #tpu.memory_space<vmem>>[vector<16xi32>], vector<16xf32>,
        tpu.vector_store_idx %arg12[%get3A_125], %gather3A_230 {add = true} : memref<10240xf32, #tpu.memory_space<vmem>>[vector<16xi32>], vector<16xf32>,
        tpu.vector_store_idx %arg13[%get3A_125], %gather3A_231 {add = true} : memref<10240xf32, #tpu.memory_space<vmem>>[vector<16xi32>], vector<16xf32>,
        tpu.vector_store_idx %arg14[%get3A_125], %gather3A_232 {add = true} : memref<10240xf32, #tpu.memory_space<vmem>>[vector<16xi32>], vector<16xf32>,
        %gather3A_233 = tpu.vector_load_idx %arg7[%get3A_131] : memref<10240xf32, #tpu.memory_space<vmem>>[vector<16xi32>], vector<16xf32>,
        %gather3A_234 = tpu.vector_load_idx %arg8[%get3A_131] : memref<10240xf32, #tpu.memory_space<vmem>>[vector<16xi32>], vector<16xf32>,
        %gather3A_235 = tpu.vector_load_idx %arg9[%get3A_131] : memref<10240xf32, #tpu.memory_space<vmem>>[vector<16xi32>], vector<16xf32>,
        %gather3A_236 = tpu.vector_load_idx %arg10[%get3A_131] : memref<10240xf32, #tpu.memory_space<vmem>>[vector<16xi32>], vector<16xf32>,
        tpu.vector_store_idx %arg11[%get3A_133], %gather3A_233 {add = true} : memref<10240xf32, #tpu.memory_space<vmem>>[vector<16xi32>], vector<16xf32>,
        tpu.vector_store_idx %arg12[%get3A_133], %gather3A_234 {add = true} : memref<10240xf32, #tpu.memory_space<vmem>>[vector<16xi32>], vector<16xf32>,
        tpu.vector_store_idx %arg13[%get3A_133], %gather3A_235 {add = true} : memref<10240xf32, #tpu.memory_space<vmem>>[vector<16xi32>], vector<16xf32>,
        tpu.vector_store_idx %arg14[%get3A_133], %gather3A_236 {add = true} : memref<10240xf32, #tpu.memory_space<vmem>>[vector<16xi32>], vector<16xf32>,
        %gather3A_237 = tpu.vector_load_idx %arg7[%get3A_139] : memref<10240xf32, #tpu.memory_space<vmem>>[vector<16xi32>], vector<16xf32>,
        %gather3A_238 = tpu.vector_load_idx %arg8[%get3A_139] : memref<10240xf32, #tpu.memory_space<vmem>>[vector<16xi32>], vector<16xf32>,
        %gather3A_239 = tpu.vector_load_idx %arg9[%get3A_139] : memref<10240xf32, #tpu.memory_space<vmem>>[vector<16xi32>], vector<16xf32>,
        %gather3A_240 = tpu.vector_load_idx %arg10[%get3A_139] : memref<10240xf32, #tpu.memory_space<vmem>>[vector<16xi32>], vector<16xf32>,
        tpu.vector_store_idx %arg11[%get3A_141], %gather3A_237 {add = true} : memref<10240xf32, #tpu.memory_space<vmem>>[vector<16xi32>], vector<16xf32>,
        tpu.vector_store_idx %arg12[%get3A_141], %gather3A_238 {add = true} : memref<10240xf32, #tpu.memory_space<vmem>>[vector<16xi32>], vector<16xf32>,
        tpu.vector_store_idx %arg13[%get3A_141], %gather3A_239 {add = true} : memref<10240xf32, #tpu.memory_space<vmem>>[vector<16xi32>], vector<16xf32>,
        tpu.vector_store_idx %arg14[%get3A_141], %gather3A_240 {add = true} : memref<10240xf32, #tpu.memory_space<vmem>>[vector<16xi32>], vector<16xf32>,
        %gather3A_241 = tpu.vector_load_idx %arg7[%get3A_147] : memref<10240xf32, #tpu.memory_space<vmem>>[vector<16xi32>], vector<16xf32>,
        %gather3A_242 = tpu.vector_load_idx %arg8[%get3A_147] : memref<10240xf32, #tpu.memory_space<vmem>>[vector<16xi32>], vector<16xf32>,
        %gather3A_243 = tpu.vector_load_idx %arg9[%get3A_147] : memref<10240xf32, #tpu.memory_space<vmem>>[vector<16xi32>], vector<16xf32>,
        %gather3A_244 = tpu.vector_load_idx %arg10[%get3A_147] : memref<10240xf32, #tpu.memory_space<vmem>>[vector<16xi32>], vector<16xf32>,
        tpu.vector_store_idx %arg11[%get3A_149], %gather3A_241 {add = true} : memref<10240xf32, #tpu.memory_space<vmem>>[vector<16xi32>], vector<16xf32>,
        tpu.vector_store_idx %arg12[%get3A_149], %gather3A_242 {add = true} : memref<10240xf32, #tpu.memory_space<vmem>>[vector<16xi32>], vector<16xf32>,
        tpu.vector_store_idx %arg13[%get3A_149], %gather3A_243 {add = true} : memref<10240xf32, #tpu.memory_space<vmem>>[vector<16xi32>], vector<16xf32>,
        tpu.vector_store_idx %arg14[%get3A_149], %gather3A_244 {add = true} : memref<10240xf32, #tpu.memory_space<vmem>>[vector<16xi32>], vector<16xf32>,
        %gather3A_245 = tpu.vector_load_idx %arg7[%get3A_155] : memref<10240xf32, #tpu.memory_space<vmem>>[vector<16xi32>], vector<16xf32>,
        %gather3A_246 = tpu.vector_load_idx %arg8[%get3A_155] : memref<10240xf32, #tpu.memory_space<vmem>>[vector<16xi32>], vector<16xf32>,
        %gather3A_247 = tpu.vector_load_idx %arg9[%get3A_155] : memref<10240xf32, #tpu.memory_space<vmem>>[vector<16xi32>], vector<16xf32>,
        %gather3A_248 = tpu.vector_load_idx %arg10[%get3A_155] : memref<10240xf32, #tpu.memory_space<vmem>>[vector<16xi32>], vector<16xf32>,
        tpu.vector_store_idx %arg11[%get3A_157], %gather3A_245 {add = true} : memref<10240xf32, #tpu.memory_space<vmem>>[vector<16xi32>], vector<16xf32>,
        tpu.vector_store_idx %arg12[%get3A_157], %gather3A_246 {add = true} : memref<10240xf32, #tpu.memory_space<vmem>>[vector<16xi32>], vector<16xf32>,
        tpu.vector_store_idx %arg13[%get3A_157], %gather3A_247 {add = true} : memref<10240xf32, #tpu.memory_space<vmem>>[vector<16xi32>], vector<16xf32>,
        tpu.vector_store_idx %arg14[%get3A_157], %gather3A_248 {add = true} : memref<10240xf32, #tpu.memory_space<vmem>>[vector<16xi32>], vector<16xf32>,
        %gather3A_249 = tpu.vector_load_idx %arg7[%get3A_163] : memref<10240xf32, #tpu.memory_space<vmem>>[vector<16xi32>], vector<16xf32>,
        %gather3A_250 = tpu.vector_load_idx %arg8[%get3A_163] : memref<10240xf32, #tpu.memory_space<vmem>>[vector<16xi32>], vector<16xf32>,
        %gather3A_251 = tpu.vector_load_idx %arg9[%get3A_163] : memref<10240xf32, #tpu.memory_space<vmem>>[vector<16xi32>], vector<16xf32>,
        %gather3A_252 = tpu.vector_load_idx %arg10[%get3A_163] : memref<10240xf32, #tpu.memory_space<vmem>>[vector<16xi32>], vector<16xf32>,
        tpu.vector_store_idx %arg11[%get3A_165], %gather3A_249 {add = true} : memref<10240xf32, #tpu.memory_space<vmem>>[vector<16xi32>], vector<16xf32>,
        tpu.vector_store_idx %arg12[%get3A_165], %gather3A_250 {add = true} : memref<10240xf32, #tpu.memory_space<vmem>>[vector<16xi32>], vector<16xf32>,
        tpu.vector_store_idx %arg13[%get3A_165], %gather3A_251 {add = true} : memref<10240xf32, #tpu.memory_space<vmem>>[vector<16xi32>], vector<16xf32>,
        tpu.vector_store_idx %arg14[%get3A_165], %gather3A_252 {add = true} : memref<10240xf32, #tpu.memory_space<vmem>>[vector<16xi32>], vector<16xf32>,
        %gather3A_253 = tpu.vector_load_idx %arg7[%get3A_171] : memref<10240xf32, #tpu.memory_space<vmem>>[vector<16xi32>], vector<16xf32>,
        %gather3A_254 = tpu.vector_load_idx %arg8[%get3A_171] : memref<10240xf32, #tpu.memory_space<vmem>>[vector<16xi32>], vector<16xf32>,
        %gather3A_255 = tpu.vector_load_idx %arg9[%get3A_171] : memref<10240xf32, #tpu.memory_space<vmem>>[vector<16xi32>], vector<16xf32>,
        %gather3A_256 = tpu.vector_load_idx %arg10[%get3A_171] : memref<10240xf32, #tpu.memory_space<vmem>>[vector<16xi32>], vector<16xf32>,
        tpu.vector_store_idx %arg11[%get3A_173], %gather3A_253 {add = true} : memref<10240xf32, #tpu.memory_space<vmem>>[vector<16xi32>], vector<16xf32>,
        tpu.vector_store_idx %arg12[%get3A_173], %gather3A_254 {add = true} : memref<10240xf32, #tpu.memory_space<vmem>>[vector<16xi32>], vector<16xf32>,
        tpu.vector_store_idx %arg13[%get3A_173], %gather3A_255 {add = true} : memref<10240xf32, #tpu.memory_space<vmem>>[vector<16xi32>], vector<16xf32>,
        tpu.vector_store_idx %arg14[%get3A_173], %gather3A_256 {add = true} : memref<10240xf32, #tpu.memory_space<vmem>>[vector<16xi32>], vector<16xf32>,
        %gather3A_257 = tpu.vector_load_idx %arg7[%get3A_179] : memref<10240xf32, #tpu.memory_space<vmem>>[vector<16xi32>], vector<16xf32>,
        %gather3A_258 = tpu.vector_load_idx %arg8[%get3A_179] : memref<10240xf32, #tpu.memory_space<vmem>>[vector<16xi32>], vector<16xf32>,
        %gather3A_259 = tpu.vector_load_idx %arg9[%get3A_179] : memref<10240xf32, #tpu.memory_space<vmem>>[vector<16xi32>], vector<16xf32>,
        %gather3A_260 = tpu.vector_load_idx %arg10[%get3A_179] : memref<10240xf32, #tpu.memory_space<vmem>>[vector<16xi32>], vector<16xf32>,
        tpu.vector_store_idx %arg11[%get3A_181], %gather3A_257 {add = true} : memref<10240xf32, #tpu.memory_space<vmem>>[vector<16xi32>], vector<16xf32>,
        tpu.vector_store_idx %arg12[%get3A_181], %gather3A_258 {add = true} : memref<10240xf32, #tpu.memory_space<vmem>>[vector<16xi32>], vector<16xf32>,
        tpu.vector_store_idx %arg13[%get3A_181], %gather3A_259 {add = true} : memref<10240xf32, #tpu.memory_space<vmem>>[vector<16xi32>], vector<16xf32>,
        tpu.vector_store_idx %arg14[%get3A_181], %gather3A_260 {add = true} : memref<10240xf32, #tpu.memory_space<vmem>>[vector<16xi32>], vector<16xf32>,
        %gather3A_261 = tpu.vector_load_idx %arg7[%get3A_187] : memref<10240xf32, #tpu.memory_space<vmem>>[vector<16xi32>], vector<16xf32>,
        %gather3A_262 = tpu.vector_load_idx %arg8[%get3A_187] : memref<10240xf32, #tpu.memory_space<vmem>>[vector<16xi32>], vector<16xf32>,
        %gather3A_263 = tpu.vector_load_idx %arg9[%get3A_187] : memref<10240xf32, #tpu.memory_space<vmem>>[vector<16xi32>], vector<16xf32>,
        %gather3A_264 = tpu.vector_load_idx %arg10[%get3A_187] : memref<10240xf32, #tpu.memory_space<vmem>>[vector<16xi32>], vector<16xf32>,
        tpu.vector_store_idx %arg11[%get3A_189], %gather3A_261 {add = true} : memref<10240xf32, #tpu.memory_space<vmem>>[vector<16xi32>], vector<16xf32>,
        tpu.vector_store_idx %arg12[%get3A_189], %gather3A_262 {add = true} : memref<10240xf32, #tpu.memory_space<vmem>>[vector<16xi32>], vector<16xf32>,
        tpu.vector_store_idx %arg13[%get3A_189], %gather3A_263 {add = true} : memref<10240xf32, #tpu.memory_space<vmem>>[vector<16xi32>], vector<16xf32>,
        tpu.vector_store_idx %arg14[%get3A_189], %gather3A_264 {add = true} : memref<10240xf32, #tpu.memory_space<vmem>>[vector<16xi32>], vector<16xf32>,
        %gather3A_265 = tpu.vector_load_idx %arg7[%get3A_195] : memref<10240xf32, #tpu.memory_space<vmem>>[vector<16xi32>], vector<16xf32>,
        %gather3A_266 = tpu.vector_load_idx %arg8[%get3A_195] : memref<10240xf32, #tpu.memory_space<vmem>>[vector<16xi32>], vector<16xf32>,
        %gather3A_267 = tpu.vector_load_idx %arg9[%get3A_195] : memref<10240xf32, #tpu.memory_space<vmem>>[vector<16xi32>], vector<16xf32>,
        %gather3A_268 = tpu.vector_load_idx %arg10[%get3A_195] : memref<10240xf32, #tpu.memory_space<vmem>>[vector<16xi32>], vector<16xf32>,
        tpu.vector_store_idx %arg11[%get3A_197], %gather3A_265 {add = true} : memref<10240xf32, #tpu.memory_space<vmem>>[vector<16xi32>], vector<16xf32>,
        tpu.vector_store_idx %arg12[%get3A_197], %gather3A_266 {add = true} : memref<10240xf32, #tpu.memory_space<vmem>>[vector<16xi32>], vector<16xf32>,
        tpu.vector_store_idx %arg13[%get3A_197], %gather3A_267 {add = true} : memref<10240xf32, #tpu.memory_space<vmem>>[vector<16xi32>], vector<16xf32>,
        tpu.vector_store_idx %arg14[%get3A_197], %gather3A_268 {add = true} : memref<10240xf32, #tpu.memory_space<vmem>>[vector<16xi32>], vector<16xf32>,
        %gather3A_269 = tpu.vector_load_idx %arg7[%get3A_203] : memref<10240xf32, #tpu.memory_space<vmem>>[vector<16xi32>], vector<16xf32>,
        %gather3A_270 = tpu.vector_load_idx %arg8[%get3A_203] : memref<10240xf32, #tpu.memory_space<vmem>>[vector<16xi32>], vector<16xf32>,
        %gather3A_271 = tpu.vector_load_idx %arg9[%get3A_203] : memref<10240xf32, #tpu.memory_space<vmem>>[vector<16xi32>], vector<16xf32>,
        %gather3A_272 = tpu.vector_load_idx %arg10[%get3A_203] : memref<10240xf32, #tpu.memory_space<vmem>>[vector<16xi32>], vector<16xf32>,
        tpu.vector_store_idx %arg11[%get3A_205], %gather3A_269 {add = true} : memref<10240xf32, #tpu.memory_space<vmem>>[vector<16xi32>], vector<16xf32>,
        tpu.vector_store_idx %arg12[%get3A_205], %gather3A_270 {add = true} : memref<10240xf32, #tpu.memory_space<vmem>>[vector<16xi32>], vector<16xf32>,
        tpu.vector_store_idx %arg13[%get3A_205], %gather3A_271 {add = true} : memref<10240xf32, #tpu.memory_space<vmem>>[vector<16xi32>], vector<16xf32>,
        tpu.vector_store_idx %arg14[%get3A_205], %gather3A_272 {add = true} : memref<10240xf32, #tpu.memory_space<vmem>>[vector<16xi32>], vector<16xf32>,
        %gather3A_273 = tpu.vector_load_idx %arg7[%get3A_211] : memref<10240xf32, #tpu.memory_space<vmem>>[vector<16xi32>], vector<16xf32>,
        %gather3A_274 = tpu.vector_load_idx %arg8[%get3A_211] : memref<10240xf32, #tpu.memory_space<vmem>>[vector<16xi32>], vector<16xf32>,
        %gather3A_275 = tpu.vector_load_idx %arg9[%get3A_211] : memref<10240xf32, #tpu.memory_space<vmem>>[vector<16xi32>], vector<16xf32>,
        %gather3A_276 = tpu.vector_load_idx %arg10[%get3A_211] : memref<10240xf32, #tpu.memory_space<vmem>>[vector<16xi32>], vector<16xf32>,
        tpu.vector_store_idx %arg11[%get3A_213], %gather3A_273 {add = true} : memref<10240xf32, #tpu.memory_space<vmem>>[vector<16xi32>], vector<16xf32>,
        tpu.vector_store_idx %arg12[%get3A_213], %gather3A_274 {add = true} : memref<10240xf32, #tpu.memory_space<vmem>>[vector<16xi32>], vector<16xf32>,
        tpu.vector_store_idx %arg13[%get3A_213], %gather3A_275 {add = true} : memref<10240xf32, #tpu.memory_space<vmem>>[vector<16xi32>], vector<16xf32>,
        tpu.vector_store_idx %arg14[%get3A_213], %gather3A_276 {add = true} : memref<10240xf32, #tpu.memory_space<vmem>>[vector<16xi32>], vector<16xf32>,
      }
      %scan3A_56 = arith.constant 8 : i32
      %add3A_57 = arith.constant 2 : i32
      %add3A_58 = arith.addi %add3A_43, %add3A_57 : i32
      %lt3A = arith.constant 158 : i32
      %lt3A_59 = arith.cmpi slt, %add3A_58, %lt3A : i32
      %convert_element_type3A = arith.extui %lt3A_59 : i1 to i32
      %cond3A = arith.constant 0 : i32
      %cond3A_60 = arith.cmpi ne, %convert_element_type3A, %cond3A : i32
      scf.if %cond3A_60 {
        %mul3A_86 = arith.constant 2048 : i32
        %mul3A_87 = arith.muli %add3A_58, %mul3A_86 : i32
        %dma_start3A_88 = tpu.memref_slice %arg3[%mul3A_87] : memref<323584xi32, #tpu.memory_space<hbm>> -> memref<2048xi32, #tpu.memory_space<hbm>>
        %dma_start3A_89 = tpu.memref_slice %arg3[%mul3A_87] : memref<323584xi32, #tpu.memory_space<hbm>> -> memref<2048xi32, #tpu.memory_space<hbm>>
        tpu.enqueue_dma source(%dma_start3A_89 : memref<2048xi32, #tpu.memory_space<hbm>>) target(%arg15 : memref<2048xi32, #tpu.memory_space<vmem>>) target_semaphore(%arg19 : memref<!tpu.dma_semaphore, #tpu.memory_space<semaphore_mem>>)
        %mul3A_90 = arith.constant 2048 : i32
        %mul3A_91 = arith.muli %add3A_58, %mul3A_90 : i32
        %dma_start3A_92 = tpu.memref_slice %arg4[%mul3A_91] : memref<323584xi32, #tpu.memory_space<hbm>> -> memref<2048xi32, #tpu.memory_space<hbm>>
        %dma_start3A_93 = tpu.memref_slice %arg4[%mul3A_91] : memref<323584xi32, #tpu.memory_space<hbm>> -> memref<2048xi32, #tpu.memory_space<hbm>>
        tpu.enqueue_dma source(%dma_start3A_93 : memref<2048xi32, #tpu.memory_space<hbm>>) target(%arg17 : memref<2048xi32, #tpu.memory_space<vmem>>) target_semaphore(%arg21 : memref<!tpu.dma_semaphore, #tpu.memory_space<semaphore_mem>>)
      } else {
      }
      %mul3A_61 = arith.constant 2 : i32
      %mul3A_62 = arith.muli %scan3A_39, %mul3A_61 : i32
      %add3A_63 = arith.constant 1 : i32
      %add3A_64 = arith.addi %mul3A_62, %add3A_63 : i32
      %mul3A_65 = arith.constant 2048 : i32
      %mul3A_66 = arith.muli %add3A_64, %mul3A_65 : i32
      %dma_wait3A_67 = tpu.memref_slice %arg3[%mul3A_66] : memref<323584xi32, #tpu.memory_space<hbm>> -> memref<2048xi32, #tpu.memory_space<hbm>>
      %dma_wait3A_68 = tpu.memref_slice %arg3[%mul3A_66] : memref<323584xi32, #tpu.memory_space<hbm>> -> memref<2048xi32, #tpu.memory_space<hbm>>
      tpu.wait_dma2 semaphore(%arg20 : memref<!tpu.dma_semaphore, #tpu.memory_space<semaphore_mem>>) src(%dma_wait3A_68 : memref<2048xi32, #tpu.memory_space<hbm>>) dst(%arg16 : memref<2048xi32, #tpu.memory_space<vmem>>)
      %mul3A_69 = arith.constant 2048 : i32
      %mul3A_70 = arith.muli %add3A_64, %mul3A_69 : i32
      %dma_wait3A_71 = tpu.memref_slice %arg4[%mul3A_70] : memref<323584xi32, #tpu.memory_space<hbm>> -> memref<2048xi32, #tpu.memory_space<hbm>>
      %dma_wait3A_72 = tpu.memref_slice %arg4[%mul3A_70] : memref<323584xi32, #tpu.memory_space<hbm>> -> memref<2048xi32, #tpu.memory_space<hbm>>
      tpu.wait_dma2 semaphore(%arg22 : memref<!tpu.dma_semaphore, #tpu.memory_space<semaphore_mem>>) src(%dma_wait3A_72 : memref<2048xi32, #tpu.memory_space<hbm>>) dst(%arg18 : memref<2048xi32, #tpu.memory_space<vmem>>)
      %scan3A_73 = arith.constant 0 : i32
      %scan3A_74 = arith.constant 0 : i32
      %scan3A_75 = arith.constant 8 : i32
      %scan3A_76 = arith.addi %scan3A_74, %scan3A_75 : i32
      %scan3A_77 = arith.constant 1 : i32
      scf.for %scan3A_86 = %scan3A_74 to %scan3A_76 step %scan3A_77  : i32 {
        %mul3A_87 = arith.constant 256 : i32
        %mul3A_88 = arith.muli %scan3A_86, %mul3A_87 : i32
        %add3A_89 = arith.constant 0 : i32
        %add3A_90 = arith.addi %mul3A_88, %add3A_89 : i32
        %get3A = arith.index_cast %add3A_90 : i32 to index
        %get3A_91 = tpu.vector_load %arg16[%get3A] {strides = array<i32>} : memref<2048xi32, #tpu.memory_space<vmem>>, vector<16xi32>,
        %get3A_92 = arith.index_cast %add3A_90 : i32 to index
        %get3A_93 = tpu.vector_load %arg18[%get3A_92] {strides = array<i32>} : memref<2048xi32, #tpu.memory_space<vmem>>, vector<16xi32>,
        %mul3A_94 = arith.constant 256 : i32
        %mul3A_95 = arith.muli %scan3A_86, %mul3A_94 : i32
        %add3A_96 = arith.constant 16 : i32
        %add3A_97 = arith.addi %mul3A_95, %add3A_96 : i32
        %get3A_98 = arith.index_cast %add3A_97 : i32 to index
        %get3A_99 = tpu.vector_load %arg16[%get3A_98] {strides = array<i32>} : memref<2048xi32, #tpu.memory_space<vmem>>, vector<16xi32>,
        %get3A_100 = arith.index_cast %add3A_97 : i32 to index
        %get3A_101 = tpu.vector_load %arg18[%get3A_100] {strides = array<i32>} : memref<2048xi32, #tpu.memory_space<vmem>>, vector<16xi32>,
        %mul3A_102 = arith.constant 256 : i32
        %mul3A_103 = arith.muli %scan3A_86, %mul3A_102 : i32
        %add3A_104 = arith.constant 32 : i32
        %add3A_105 = arith.addi %mul3A_103, %add3A_104 : i32
        %get3A_106 = arith.index_cast %add3A_105 : i32 to index
        %get3A_107 = tpu.vector_load %arg16[%get3A_106] {strides = array<i32>} : memref<2048xi32, #tpu.memory_space<vmem>>, vector<16xi32>,
        %get3A_108 = arith.index_cast %add3A_105 : i32 to index
        %get3A_109 = tpu.vector_load %arg18[%get3A_108] {strides = array<i32>} : memref<2048xi32, #tpu.memory_space<vmem>>, vector<16xi32>,
        %mul3A_110 = arith.constant 256 : i32
        %mul3A_111 = arith.muli %scan3A_86, %mul3A_110 : i32
        %add3A_112 = arith.constant 48 : i32
        %add3A_113 = arith.addi %mul3A_111, %add3A_112 : i32
        %get3A_114 = arith.index_cast %add3A_113 : i32 to index
        %get3A_115 = tpu.vector_load %arg16[%get3A_114] {strides = array<i32>} : memref<2048xi32, #tpu.memory_space<vmem>>, vector<16xi32>,
        %get3A_116 = arith.index_cast %add3A_113 : i32 to index
        %get3A_117 = tpu.vector_load %arg18[%get3A_116] {strides = array<i32>} : memref<2048xi32, #tpu.memory_space<vmem>>, vector<16xi32>,
        %mul3A_118 = arith.constant 256 : i32
        %mul3A_119 = arith.muli %scan3A_86, %mul3A_118 : i32
        %add3A_120 = arith.constant 64 : i32
        %add3A_121 = arith.addi %mul3A_119, %add3A_120 : i32
        %get3A_122 = arith.index_cast %add3A_121 : i32 to index
        %get3A_123 = tpu.vector_load %arg16[%get3A_122] {strides = array<i32>} : memref<2048xi32, #tpu.memory_space<vmem>>, vector<16xi32>,
        %get3A_124 = arith.index_cast %add3A_121 : i32 to index
        %get3A_125 = tpu.vector_load %arg18[%get3A_124] {strides = array<i32>} : memref<2048xi32, #tpu.memory_space<vmem>>, vector<16xi32>,
        %mul3A_126 = arith.constant 256 : i32
        %mul3A_127 = arith.muli %scan3A_86, %mul3A_126 : i32
        %add3A_128 = arith.constant 80 : i32
        %add3A_129 = arith.addi %mul3A_127, %add3A_128 : i32
        %get3A_130 = arith.index_cast %add3A_129 : i32 to index
        %get3A_131 = tpu.vector_load %arg16[%get3A_130] {strides = array<i32>} : memref<2048xi32, #tpu.memory_space<vmem>>, vector<16xi32>,
        %get3A_132 = arith.index_cast %add3A_129 : i32 to index
        %get3A_133 = tpu.vector_load %arg18[%get3A_132] {strides = array<i32>} : memref<2048xi32, #tpu.memory_space<vmem>>, vector<16xi32>,
        %mul3A_134 = arith.constant 256 : i32
        %mul3A_135 = arith.muli %scan3A_86, %mul3A_134 : i32
        %add3A_136 = arith.constant 96 : i32
        %add3A_137 = arith.addi %mul3A_135, %add3A_136 : i32
        %get3A_138 = arith.index_cast %add3A_137 : i32 to index
        %get3A_139 = tpu.vector_load %arg16[%get3A_138] {strides = array<i32>} : memref<2048xi32, #tpu.memory_space<vmem>>, vector<16xi32>,
        %get3A_140 = arith.index_cast %add3A_137 : i32 to index
        %get3A_141 = tpu.vector_load %arg18[%get3A_140] {strides = array<i32>} : memref<2048xi32, #tpu.memory_space<vmem>>, vector<16xi32>,
        %mul3A_142 = arith.constant 256 : i32
        %mul3A_143 = arith.muli %scan3A_86, %mul3A_142 : i32
        %add3A_144 = arith.constant 112 : i32
        %add3A_145 = arith.addi %mul3A_143, %add3A_144 : i32
        %get3A_146 = arith.index_cast %add3A_145 : i32 to index
        %get3A_147 = tpu.vector_load %arg16[%get3A_146] {strides = array<i32>} : memref<2048xi32, #tpu.memory_space<vmem>>, vector<16xi32>,
        %get3A_148 = arith.index_cast %add3A_145 : i32 to index
        %get3A_149 = tpu.vector_load %arg18[%get3A_148] {strides = array<i32>} : memref<2048xi32, #tpu.memory_space<vmem>>, vector<16xi32>,
        %mul3A_150 = arith.constant 256 : i32
        %mul3A_151 = arith.muli %scan3A_86, %mul3A_150 : i32
        %add3A_152 = arith.constant 128 : i32
        %add3A_153 = arith.addi %mul3A_151, %add3A_152 : i32
        %get3A_154 = arith.index_cast %add3A_153 : i32 to index
        %get3A_155 = tpu.vector_load %arg16[%get3A_154] {strides = array<i32>} : memref<2048xi32, #tpu.memory_space<vmem>>, vector<16xi32>,
        %get3A_156 = arith.index_cast %add3A_153 : i32 to index
        %get3A_157 = tpu.vector_load %arg18[%get3A_156] {strides = array<i32>} : memref<2048xi32, #tpu.memory_space<vmem>>, vector<16xi32>,
        %mul3A_158 = arith.constant 256 : i32
        %mul3A_159 = arith.muli %scan3A_86, %mul3A_158 : i32
        %add3A_160 = arith.constant 144 : i32
        %add3A_161 = arith.addi %mul3A_159, %add3A_160 : i32
        %get3A_162 = arith.index_cast %add3A_161 : i32 to index
        %get3A_163 = tpu.vector_load %arg16[%get3A_162] {strides = array<i32>} : memref<2048xi32, #tpu.memory_space<vmem>>, vector<16xi32>,
        %get3A_164 = arith.index_cast %add3A_161 : i32 to index
        %get3A_165 = tpu.vector_load %arg18[%get3A_164] {strides = array<i32>} : memref<2048xi32, #tpu.memory_space<vmem>>, vector<16xi32>,
        %mul3A_166 = arith.constant 256 : i32
        %mul3A_167 = arith.muli %scan3A_86, %mul3A_166 : i32
        %add3A_168 = arith.constant 160 : i32
        %add3A_169 = arith.addi %mul3A_167, %add3A_168 : i32
        %get3A_170 = arith.index_cast %add3A_169 : i32 to index
        %get3A_171 = tpu.vector_load %arg16[%get3A_170] {strides = array<i32>} : memref<2048xi32, #tpu.memory_space<vmem>>, vector<16xi32>,
        %get3A_172 = arith.index_cast %add3A_169 : i32 to index
        %get3A_173 = tpu.vector_load %arg18[%get3A_172] {strides = array<i32>} : memref<2048xi32, #tpu.memory_space<vmem>>, vector<16xi32>,
        %mul3A_174 = arith.constant 256 : i32
        %mul3A_175 = arith.muli %scan3A_86, %mul3A_174 : i32
        %add3A_176 = arith.constant 176 : i32
        %add3A_177 = arith.addi %mul3A_175, %add3A_176 : i32
        %get3A_178 = arith.index_cast %add3A_177 : i32 to index
        %get3A_179 = tpu.vector_load %arg16[%get3A_178] {strides = array<i32>} : memref<2048xi32, #tpu.memory_space<vmem>>, vector<16xi32>,
        %get3A_180 = arith.index_cast %add3A_177 : i32 to index
        %get3A_181 = tpu.vector_load %arg18[%get3A_180] {strides = array<i32>} : memref<2048xi32, #tpu.memory_space<vmem>>, vector<16xi32>,
        %mul3A_182 = arith.constant 256 : i32
        %mul3A_183 = arith.muli %scan3A_86, %mul3A_182 : i32
        %add3A_184 = arith.constant 192 : i32
        %add3A_185 = arith.addi %mul3A_183, %add3A_184 : i32
        %get3A_186 = arith.index_cast %add3A_185 : i32 to index
        %get3A_187 = tpu.vector_load %arg16[%get3A_186] {strides = array<i32>} : memref<2048xi32, #tpu.memory_space<vmem>>, vector<16xi32>,
        %get3A_188 = arith.index_cast %add3A_185 : i32 to index
        %get3A_189 = tpu.vector_load %arg18[%get3A_188] {strides = array<i32>} : memref<2048xi32, #tpu.memory_space<vmem>>, vector<16xi32>,
        %mul3A_190 = arith.constant 256 : i32
        %mul3A_191 = arith.muli %scan3A_86, %mul3A_190 : i32
        %add3A_192 = arith.constant 208 : i32
        %add3A_193 = arith.addi %mul3A_191, %add3A_192 : i32
        %get3A_194 = arith.index_cast %add3A_193 : i32 to index
        %get3A_195 = tpu.vector_load %arg16[%get3A_194] {strides = array<i32>} : memref<2048xi32, #tpu.memory_space<vmem>>, vector<16xi32>,
        %get3A_196 = arith.index_cast %add3A_193 : i32 to index
        %get3A_197 = tpu.vector_load %arg18[%get3A_196] {strides = array<i32>} : memref<2048xi32, #tpu.memory_space<vmem>>, vector<16xi32>,
        %mul3A_198 = arith.constant 256 : i32
        %mul3A_199 = arith.muli %scan3A_86, %mul3A_198 : i32
        %add3A_200 = arith.constant 224 : i32
        %add3A_201 = arith.addi %mul3A_199, %add3A_200 : i32
        %get3A_202 = arith.index_cast %add3A_201 : i32 to index
        %get3A_203 = tpu.vector_load %arg16[%get3A_202] {strides = array<i32>} : memref<2048xi32, #tpu.memory_space<vmem>>, vector<16xi32>,
        %get3A_204 = arith.index_cast %add3A_201 : i32 to index
        %get3A_205 = tpu.vector_load %arg18[%get3A_204] {strides = array<i32>} : memref<2048xi32, #tpu.memory_space<vmem>>, vector<16xi32>,
        %mul3A_206 = arith.constant 256 : i32
        %mul3A_207 = arith.muli %scan3A_86, %mul3A_206 : i32
        %add3A_208 = arith.constant 240 : i32
        %add3A_209 = arith.addi %mul3A_207, %add3A_208 : i32
        %get3A_210 = arith.index_cast %add3A_209 : i32 to index
        %get3A_211 = tpu.vector_load %arg16[%get3A_210] {strides = array<i32>} : memref<2048xi32, #tpu.memory_space<vmem>>, vector<16xi32>,
        %get3A_212 = arith.index_cast %add3A_209 : i32 to index
        %get3A_213 = tpu.vector_load %arg18[%get3A_212] {strides = array<i32>} : memref<2048xi32, #tpu.memory_space<vmem>>, vector<16xi32>,
        %gather3A = tpu.vector_load_idx %arg7[%get3A_91] : memref<10240xf32, #tpu.memory_space<vmem>>[vector<16xi32>], vector<16xf32>,
        %gather3A_214 = tpu.vector_load_idx %arg8[%get3A_91] : memref<10240xf32, #tpu.memory_space<vmem>>[vector<16xi32>], vector<16xf32>,
        %gather3A_215 = tpu.vector_load_idx %arg9[%get3A_91] : memref<10240xf32, #tpu.memory_space<vmem>>[vector<16xi32>], vector<16xf32>,
        %gather3A_216 = tpu.vector_load_idx %arg10[%get3A_91] : memref<10240xf32, #tpu.memory_space<vmem>>[vector<16xi32>], vector<16xf32>,
        tpu.vector_store_idx %arg11[%get3A_93], %gather3A {add = true} : memref<10240xf32, #tpu.memory_space<vmem>>[vector<16xi32>], vector<16xf32>,
        tpu.vector_store_idx %arg12[%get3A_93], %gather3A_214 {add = true} : memref<10240xf32, #tpu.memory_space<vmem>>[vector<16xi32>], vector<16xf32>,
        tpu.vector_store_idx %arg13[%get3A_93], %gather3A_215 {add = true} : memref<10240xf32, #tpu.memory_space<vmem>>[vector<16xi32>], vector<16xf32>,
        tpu.vector_store_idx %arg14[%get3A_93], %gather3A_216 {add = true} : memref<10240xf32, #tpu.memory_space<vmem>>[vector<16xi32>], vector<16xf32>,
        %gather3A_217 = tpu.vector_load_idx %arg7[%get3A_99] : memref<10240xf32, #tpu.memory_space<vmem>>[vector<16xi32>], vector<16xf32>,
        %gather3A_218 = tpu.vector_load_idx %arg8[%get3A_99] : memref<10240xf32, #tpu.memory_space<vmem>>[vector<16xi32>], vector<16xf32>,
        %gather3A_219 = tpu.vector_load_idx %arg9[%get3A_99] : memref<10240xf32, #tpu.memory_space<vmem>>[vector<16xi32>], vector<16xf32>,
        %gather3A_220 = tpu.vector_load_idx %arg10[%get3A_99] : memref<10240xf32, #tpu.memory_space<vmem>>[vector<16xi32>], vector<16xf32>,
        tpu.vector_store_idx %arg11[%get3A_101], %gather3A_217 {add = true} : memref<10240xf32, #tpu.memory_space<vmem>>[vector<16xi32>], vector<16xf32>,
        tpu.vector_store_idx %arg12[%get3A_101], %gather3A_218 {add = true} : memref<10240xf32, #tpu.memory_space<vmem>>[vector<16xi32>], vector<16xf32>,
        tpu.vector_store_idx %arg13[%get3A_101], %gather3A_219 {add = true} : memref<10240xf32, #tpu.memory_space<vmem>>[vector<16xi32>], vector<16xf32>,
        tpu.vector_store_idx %arg14[%get3A_101], %gather3A_220 {add = true} : memref<10240xf32, #tpu.memory_space<vmem>>[vector<16xi32>], vector<16xf32>,
        %gather3A_221 = tpu.vector_load_idx %arg7[%get3A_107] : memref<10240xf32, #tpu.memory_space<vmem>>[vector<16xi32>], vector<16xf32>,
        %gather3A_222 = tpu.vector_load_idx %arg8[%get3A_107] : memref<10240xf32, #tpu.memory_space<vmem>>[vector<16xi32>], vector<16xf32>,
        %gather3A_223 = tpu.vector_load_idx %arg9[%get3A_107] : memref<10240xf32, #tpu.memory_space<vmem>>[vector<16xi32>], vector<16xf32>,
        %gather3A_224 = tpu.vector_load_idx %arg10[%get3A_107] : memref<10240xf32, #tpu.memory_space<vmem>>[vector<16xi32>], vector<16xf32>,
        tpu.vector_store_idx %arg11[%get3A_109], %gather3A_221 {add = true} : memref<10240xf32, #tpu.memory_space<vmem>>[vector<16xi32>], vector<16xf32>,
        tpu.vector_store_idx %arg12[%get3A_109], %gather3A_222 {add = true} : memref<10240xf32, #tpu.memory_space<vmem>>[vector<16xi32>], vector<16xf32>,
        tpu.vector_store_idx %arg13[%get3A_109], %gather3A_223 {add = true} : memref<10240xf32, #tpu.memory_space<vmem>>[vector<16xi32>], vector<16xf32>,
        tpu.vector_store_idx %arg14[%get3A_109], %gather3A_224 {add = true} : memref<10240xf32, #tpu.memory_space<vmem>>[vector<16xi32>], vector<16xf32>,
        %gather3A_225 = tpu.vector_load_idx %arg7[%get3A_115] : memref<10240xf32, #tpu.memory_space<vmem>>[vector<16xi32>], vector<16xf32>,
        %gather3A_226 = tpu.vector_load_idx %arg8[%get3A_115] : memref<10240xf32, #tpu.memory_space<vmem>>[vector<16xi32>], vector<16xf32>,
        %gather3A_227 = tpu.vector_load_idx %arg9[%get3A_115] : memref<10240xf32, #tpu.memory_space<vmem>>[vector<16xi32>], vector<16xf32>,
        %gather3A_228 = tpu.vector_load_idx %arg10[%get3A_115] : memref<10240xf32, #tpu.memory_space<vmem>>[vector<16xi32>], vector<16xf32>,
        tpu.vector_store_idx %arg11[%get3A_117], %gather3A_225 {add = true} : memref<10240xf32, #tpu.memory_space<vmem>>[vector<16xi32>], vector<16xf32>,
        tpu.vector_store_idx %arg12[%get3A_117], %gather3A_226 {add = true} : memref<10240xf32, #tpu.memory_space<vmem>>[vector<16xi32>], vector<16xf32>,
        tpu.vector_store_idx %arg13[%get3A_117], %gather3A_227 {add = true} : memref<10240xf32, #tpu.memory_space<vmem>>[vector<16xi32>], vector<16xf32>,
        tpu.vector_store_idx %arg14[%get3A_117], %gather3A_228 {add = true} : memref<10240xf32, #tpu.memory_space<vmem>>[vector<16xi32>], vector<16xf32>,
        %gather3A_229 = tpu.vector_load_idx %arg7[%get3A_123] : memref<10240xf32, #tpu.memory_space<vmem>>[vector<16xi32>], vector<16xf32>,
        %gather3A_230 = tpu.vector_load_idx %arg8[%get3A_123] : memref<10240xf32, #tpu.memory_space<vmem>>[vector<16xi32>], vector<16xf32>,
        %gather3A_231 = tpu.vector_load_idx %arg9[%get3A_123] : memref<10240xf32, #tpu.memory_space<vmem>>[vector<16xi32>], vector<16xf32>,
        %gather3A_232 = tpu.vector_load_idx %arg10[%get3A_123] : memref<10240xf32, #tpu.memory_space<vmem>>[vector<16xi32>], vector<16xf32>,
        tpu.vector_store_idx %arg11[%get3A_125], %gather3A_229 {add = true} : memref<10240xf32, #tpu.memory_space<vmem>>[vector<16xi32>], vector<16xf32>,
        tpu.vector_store_idx %arg12[%get3A_125], %gather3A_230 {add = true} : memref<10240xf32, #tpu.memory_space<vmem>>[vector<16xi32>], vector<16xf32>,
        tpu.vector_store_idx %arg13[%get3A_125], %gather3A_231 {add = true} : memref<10240xf32, #tpu.memory_space<vmem>>[vector<16xi32>], vector<16xf32>,
        tpu.vector_store_idx %arg14[%get3A_125], %gather3A_232 {add = true} : memref<10240xf32, #tpu.memory_space<vmem>>[vector<16xi32>], vector<16xf32>,
        %gather3A_233 = tpu.vector_load_idx %arg7[%get3A_131] : memref<10240xf32, #tpu.memory_space<vmem>>[vector<16xi32>], vector<16xf32>,
        %gather3A_234 = tpu.vector_load_idx %arg8[%get3A_131] : memref<10240xf32, #tpu.memory_space<vmem>>[vector<16xi32>], vector<16xf32>,
        %gather3A_235 = tpu.vector_load_idx %arg9[%get3A_131] : memref<10240xf32, #tpu.memory_space<vmem>>[vector<16xi32>], vector<16xf32>,
        %gather3A_236 = tpu.vector_load_idx %arg10[%get3A_131] : memref<10240xf32, #tpu.memory_space<vmem>>[vector<16xi32>], vector<16xf32>,
        tpu.vector_store_idx %arg11[%get3A_133], %gather3A_233 {add = true} : memref<10240xf32, #tpu.memory_space<vmem>>[vector<16xi32>], vector<16xf32>,
        tpu.vector_store_idx %arg12[%get3A_133], %gather3A_234 {add = true} : memref<10240xf32, #tpu.memory_space<vmem>>[vector<16xi32>], vector<16xf32>,
        tpu.vector_store_idx %arg13[%get3A_133], %gather3A_235 {add = true} : memref<10240xf32, #tpu.memory_space<vmem>>[vector<16xi32>], vector<16xf32>,
        tpu.vector_store_idx %arg14[%get3A_133], %gather3A_236 {add = true} : memref<10240xf32, #tpu.memory_space<vmem>>[vector<16xi32>], vector<16xf32>,
        %gather3A_237 = tpu.vector_load_idx %arg7[%get3A_139] : memref<10240xf32, #tpu.memory_space<vmem>>[vector<16xi32>], vector<16xf32>,
        %gather3A_238 = tpu.vector_load_idx %arg8[%get3A_139] : memref<10240xf32, #tpu.memory_space<vmem>>[vector<16xi32>], vector<16xf32>,
        %gather3A_239 = tpu.vector_load_idx %arg9[%get3A_139] : memref<10240xf32, #tpu.memory_space<vmem>>[vector<16xi32>], vector<16xf32>,
        %gather3A_240 = tpu.vector_load_idx %arg10[%get3A_139] : memref<10240xf32, #tpu.memory_space<vmem>>[vector<16xi32>], vector<16xf32>,
        tpu.vector_store_idx %arg11[%get3A_141], %gather3A_237 {add = true} : memref<10240xf32, #tpu.memory_space<vmem>>[vector<16xi32>], vector<16xf32>,
        tpu.vector_store_idx %arg12[%get3A_141], %gather3A_238 {add = true} : memref<10240xf32, #tpu.memory_space<vmem>>[vector<16xi32>], vector<16xf32>,
        tpu.vector_store_idx %arg13[%get3A_141], %gather3A_239 {add = true} : memref<10240xf32, #tpu.memory_space<vmem>>[vector<16xi32>], vector<16xf32>,
        tpu.vector_store_idx %arg14[%get3A_141], %gather3A_240 {add = true} : memref<10240xf32, #tpu.memory_space<vmem>>[vector<16xi32>], vector<16xf32>,
        %gather3A_241 = tpu.vector_load_idx %arg7[%get3A_147] : memref<10240xf32, #tpu.memory_space<vmem>>[vector<16xi32>], vector<16xf32>,
        %gather3A_242 = tpu.vector_load_idx %arg8[%get3A_147] : memref<10240xf32, #tpu.memory_space<vmem>>[vector<16xi32>], vector<16xf32>,
        %gather3A_243 = tpu.vector_load_idx %arg9[%get3A_147] : memref<10240xf32, #tpu.memory_space<vmem>>[vector<16xi32>], vector<16xf32>,
        %gather3A_244 = tpu.vector_load_idx %arg10[%get3A_147] : memref<10240xf32, #tpu.memory_space<vmem>>[vector<16xi32>], vector<16xf32>,
        tpu.vector_store_idx %arg11[%get3A_149], %gather3A_241 {add = true} : memref<10240xf32, #tpu.memory_space<vmem>>[vector<16xi32>], vector<16xf32>,
        tpu.vector_store_idx %arg12[%get3A_149], %gather3A_242 {add = true} : memref<10240xf32, #tpu.memory_space<vmem>>[vector<16xi32>], vector<16xf32>,
        tpu.vector_store_idx %arg13[%get3A_149], %gather3A_243 {add = true} : memref<10240xf32, #tpu.memory_space<vmem>>[vector<16xi32>], vector<16xf32>,
        tpu.vector_store_idx %arg14[%get3A_149], %gather3A_244 {add = true} : memref<10240xf32, #tpu.memory_space<vmem>>[vector<16xi32>], vector<16xf32>,
        %gather3A_245 = tpu.vector_load_idx %arg7[%get3A_155] : memref<10240xf32, #tpu.memory_space<vmem>>[vector<16xi32>], vector<16xf32>,
        %gather3A_246 = tpu.vector_load_idx %arg8[%get3A_155] : memref<10240xf32, #tpu.memory_space<vmem>>[vector<16xi32>], vector<16xf32>,
        %gather3A_247 = tpu.vector_load_idx %arg9[%get3A_155] : memref<10240xf32, #tpu.memory_space<vmem>>[vector<16xi32>], vector<16xf32>,
        %gather3A_248 = tpu.vector_load_idx %arg10[%get3A_155] : memref<10240xf32, #tpu.memory_space<vmem>>[vector<16xi32>], vector<16xf32>,
        tpu.vector_store_idx %arg11[%get3A_157], %gather3A_245 {add = true} : memref<10240xf32, #tpu.memory_space<vmem>>[vector<16xi32>], vector<16xf32>,
        tpu.vector_store_idx %arg12[%get3A_157], %gather3A_246 {add = true} : memref<10240xf32, #tpu.memory_space<vmem>>[vector<16xi32>], vector<16xf32>,
        tpu.vector_store_idx %arg13[%get3A_157], %gather3A_247 {add = true} : memref<10240xf32, #tpu.memory_space<vmem>>[vector<16xi32>], vector<16xf32>,
        tpu.vector_store_idx %arg14[%get3A_157], %gather3A_248 {add = true} : memref<10240xf32, #tpu.memory_space<vmem>>[vector<16xi32>], vector<16xf32>,
        %gather3A_249 = tpu.vector_load_idx %arg7[%get3A_163] : memref<10240xf32, #tpu.memory_space<vmem>>[vector<16xi32>], vector<16xf32>,
        %gather3A_250 = tpu.vector_load_idx %arg8[%get3A_163] : memref<10240xf32, #tpu.memory_space<vmem>>[vector<16xi32>], vector<16xf32>,
        %gather3A_251 = tpu.vector_load_idx %arg9[%get3A_163] : memref<10240xf32, #tpu.memory_space<vmem>>[vector<16xi32>], vector<16xf32>,
        %gather3A_252 = tpu.vector_load_idx %arg10[%get3A_163] : memref<10240xf32, #tpu.memory_space<vmem>>[vector<16xi32>], vector<16xf32>,
        tpu.vector_store_idx %arg11[%get3A_165], %gather3A_249 {add = true} : memref<10240xf32, #tpu.memory_space<vmem>>[vector<16xi32>], vector<16xf32>,
        tpu.vector_store_idx %arg12[%get3A_165], %gather3A_250 {add = true} : memref<10240xf32, #tpu.memory_space<vmem>>[vector<16xi32>], vector<16xf32>,
        tpu.vector_store_idx %arg13[%get3A_165], %gather3A_251 {add = true} : memref<10240xf32, #tpu.memory_space<vmem>>[vector<16xi32>], vector<16xf32>,
        tpu.vector_store_idx %arg14[%get3A_165], %gather3A_252 {add = true} : memref<10240xf32, #tpu.memory_space<vmem>>[vector<16xi32>], vector<16xf32>,
        %gather3A_253 = tpu.vector_load_idx %arg7[%get3A_171] : memref<10240xf32, #tpu.memory_space<vmem>>[vector<16xi32>], vector<16xf32>,
        %gather3A_254 = tpu.vector_load_idx %arg8[%get3A_171] : memref<10240xf32, #tpu.memory_space<vmem>>[vector<16xi32>], vector<16xf32>,
        %gather3A_255 = tpu.vector_load_idx %arg9[%get3A_171] : memref<10240xf32, #tpu.memory_space<vmem>>[vector<16xi32>], vector<16xf32>,
        %gather3A_256 = tpu.vector_load_idx %arg10[%get3A_171] : memref<10240xf32, #tpu.memory_space<vmem>>[vector<16xi32>], vector<16xf32>,
        tpu.vector_store_idx %arg11[%get3A_173], %gather3A_253 {add = true} : memref<10240xf32, #tpu.memory_space<vmem>>[vector<16xi32>], vector<16xf32>,
        tpu.vector_store_idx %arg12[%get3A_173], %gather3A_254 {add = true} : memref<10240xf32, #tpu.memory_space<vmem>>[vector<16xi32>], vector<16xf32>,
        tpu.vector_store_idx %arg13[%get3A_173], %gather3A_255 {add = true} : memref<10240xf32, #tpu.memory_space<vmem>>[vector<16xi32>], vector<16xf32>,
        tpu.vector_store_idx %arg14[%get3A_173], %gather3A_256 {add = true} : memref<10240xf32, #tpu.memory_space<vmem>>[vector<16xi32>], vector<16xf32>,
        %gather3A_257 = tpu.vector_load_idx %arg7[%get3A_179] : memref<10240xf32, #tpu.memory_space<vmem>>[vector<16xi32>], vector<16xf32>,
        %gather3A_258 = tpu.vector_load_idx %arg8[%get3A_179] : memref<10240xf32, #tpu.memory_space<vmem>>[vector<16xi32>], vector<16xf32>,
        %gather3A_259 = tpu.vector_load_idx %arg9[%get3A_179] : memref<10240xf32, #tpu.memory_space<vmem>>[vector<16xi32>], vector<16xf32>,
        %gather3A_260 = tpu.vector_load_idx %arg10[%get3A_179] : memref<10240xf32, #tpu.memory_space<vmem>>[vector<16xi32>], vector<16xf32>,
        tpu.vector_store_idx %arg11[%get3A_181], %gather3A_257 {add = true} : memref<10240xf32, #tpu.memory_space<vmem>>[vector<16xi32>], vector<16xf32>,
        tpu.vector_store_idx %arg12[%get3A_181], %gather3A_258 {add = true} : memref<10240xf32, #tpu.memory_space<vmem>>[vector<16xi32>], vector<16xf32>,
        tpu.vector_store_idx %arg13[%get3A_181], %gather3A_259 {add = true} : memref<10240xf32, #tpu.memory_space<vmem>>[vector<16xi32>], vector<16xf32>,
        tpu.vector_store_idx %arg14[%get3A_181], %gather3A_260 {add = true} : memref<10240xf32, #tpu.memory_space<vmem>>[vector<16xi32>], vector<16xf32>,
        %gather3A_261 = tpu.vector_load_idx %arg7[%get3A_187] : memref<10240xf32, #tpu.memory_space<vmem>>[vector<16xi32>], vector<16xf32>,
        %gather3A_262 = tpu.vector_load_idx %arg8[%get3A_187] : memref<10240xf32, #tpu.memory_space<vmem>>[vector<16xi32>], vector<16xf32>,
        %gather3A_263 = tpu.vector_load_idx %arg9[%get3A_187] : memref<10240xf32, #tpu.memory_space<vmem>>[vector<16xi32>], vector<16xf32>,
        %gather3A_264 = tpu.vector_load_idx %arg10[%get3A_187] : memref<10240xf32, #tpu.memory_space<vmem>>[vector<16xi32>], vector<16xf32>,
        tpu.vector_store_idx %arg11[%get3A_189], %gather3A_261 {add = true} : memref<10240xf32, #tpu.memory_space<vmem>>[vector<16xi32>], vector<16xf32>,
        tpu.vector_store_idx %arg12[%get3A_189], %gather3A_262 {add = true} : memref<10240xf32, #tpu.memory_space<vmem>>[vector<16xi32>], vector<16xf32>,
        tpu.vector_store_idx %arg13[%get3A_189], %gather3A_263 {add = true} : memref<10240xf32, #tpu.memory_space<vmem>>[vector<16xi32>], vector<16xf32>,
        tpu.vector_store_idx %arg14[%get3A_189], %gather3A_264 {add = true} : memref<10240xf32, #tpu.memory_space<vmem>>[vector<16xi32>], vector<16xf32>,
        %gather3A_265 = tpu.vector_load_idx %arg7[%get3A_195] : memref<10240xf32, #tpu.memory_space<vmem>>[vector<16xi32>], vector<16xf32>,
        %gather3A_266 = tpu.vector_load_idx %arg8[%get3A_195] : memref<10240xf32, #tpu.memory_space<vmem>>[vector<16xi32>], vector<16xf32>,
        %gather3A_267 = tpu.vector_load_idx %arg9[%get3A_195] : memref<10240xf32, #tpu.memory_space<vmem>>[vector<16xi32>], vector<16xf32>,
        %gather3A_268 = tpu.vector_load_idx %arg10[%get3A_195] : memref<10240xf32, #tpu.memory_space<vmem>>[vector<16xi32>], vector<16xf32>,
        tpu.vector_store_idx %arg11[%get3A_197], %gather3A_265 {add = true} : memref<10240xf32, #tpu.memory_space<vmem>>[vector<16xi32>], vector<16xf32>,
        tpu.vector_store_idx %arg12[%get3A_197], %gather3A_266 {add = true} : memref<10240xf32, #tpu.memory_space<vmem>>[vector<16xi32>], vector<16xf32>,
        tpu.vector_store_idx %arg13[%get3A_197], %gather3A_267 {add = true} : memref<10240xf32, #tpu.memory_space<vmem>>[vector<16xi32>], vector<16xf32>,
        tpu.vector_store_idx %arg14[%get3A_197], %gather3A_268 {add = true} : memref<10240xf32, #tpu.memory_space<vmem>>[vector<16xi32>], vector<16xf32>,
        %gather3A_269 = tpu.vector_load_idx %arg7[%get3A_203] : memref<10240xf32, #tpu.memory_space<vmem>>[vector<16xi32>], vector<16xf32>,
        %gather3A_270 = tpu.vector_load_idx %arg8[%get3A_203] : memref<10240xf32, #tpu.memory_space<vmem>>[vector<16xi32>], vector<16xf32>,
        %gather3A_271 = tpu.vector_load_idx %arg9[%get3A_203] : memref<10240xf32, #tpu.memory_space<vmem>>[vector<16xi32>], vector<16xf32>,
        %gather3A_272 = tpu.vector_load_idx %arg10[%get3A_203] : memref<10240xf32, #tpu.memory_space<vmem>>[vector<16xi32>], vector<16xf32>,
        tpu.vector_store_idx %arg11[%get3A_205], %gather3A_269 {add = true} : memref<10240xf32, #tpu.memory_space<vmem>>[vector<16xi32>], vector<16xf32>,
        tpu.vector_store_idx %arg12[%get3A_205], %gather3A_270 {add = true} : memref<10240xf32, #tpu.memory_space<vmem>>[vector<16xi32>], vector<16xf32>,
        tpu.vector_store_idx %arg13[%get3A_205], %gather3A_271 {add = true} : memref<10240xf32, #tpu.memory_space<vmem>>[vector<16xi32>], vector<16xf32>,
        tpu.vector_store_idx %arg14[%get3A_205], %gather3A_272 {add = true} : memref<10240xf32, #tpu.memory_space<vmem>>[vector<16xi32>], vector<16xf32>,
        %gather3A_273 = tpu.vector_load_idx %arg7[%get3A_211] : memref<10240xf32, #tpu.memory_space<vmem>>[vector<16xi32>], vector<16xf32>,
        %gather3A_274 = tpu.vector_load_idx %arg8[%get3A_211] : memref<10240xf32, #tpu.memory_space<vmem>>[vector<16xi32>], vector<16xf32>,
        %gather3A_275 = tpu.vector_load_idx %arg9[%get3A_211] : memref<10240xf32, #tpu.memory_space<vmem>>[vector<16xi32>], vector<16xf32>,
        %gather3A_276 = tpu.vector_load_idx %arg10[%get3A_211] : memref<10240xf32, #tpu.memory_space<vmem>>[vector<16xi32>], vector<16xf32>,
        tpu.vector_store_idx %arg11[%get3A_213], %gather3A_273 {add = true} : memref<10240xf32, #tpu.memory_space<vmem>>[vector<16xi32>], vector<16xf32>,
        tpu.vector_store_idx %arg12[%get3A_213], %gather3A_274 {add = true} : memref<10240xf32, #tpu.memory_space<vmem>>[vector<16xi32>], vector<16xf32>,
        tpu.vector_store_idx %arg13[%get3A_213], %gather3A_275 {add = true} : memref<10240xf32, #tpu.memory_space<vmem>>[vector<16xi32>], vector<16xf32>,
        tpu.vector_store_idx %arg14[%get3A_213], %gather3A_276 {add = true} : memref<10240xf32, #tpu.memory_space<vmem>>[vector<16xi32>], vector<16xf32>,
      }
      %scan3A_78 = arith.constant 8 : i32
      %add3A_79 = arith.constant 2 : i32
      %add3A_80 = arith.addi %add3A_64, %add3A_79 : i32
      %lt3A_81 = arith.constant 158 : i32
      %lt3A_82 = arith.cmpi slt, %add3A_80, %lt3A_81 : i32
      %convert_element_type3A_83 = arith.extui %lt3A_82 : i1 to i32
      %cond3A_84 = arith.constant 0 : i32
      %cond3A_85 = arith.cmpi ne, %convert_element_type3A_83, %cond3A_84 : i32
      scf.if %cond3A_85 {
        %mul3A_86 = arith.constant 2048 : i32
        %mul3A_87 = arith.muli %add3A_80, %mul3A_86 : i32
        %dma_start3A_88 = tpu.memref_slice %arg3[%mul3A_87] : memref<323584xi32, #tpu.memory_space<hbm>> -> memref<2048xi32, #tpu.memory_space<hbm>>
        %dma_start3A_89 = tpu.memref_slice %arg3[%mul3A_87] : memref<323584xi32, #tpu.memory_space<hbm>> -> memref<2048xi32, #tpu.memory_space<hbm>>
        tpu.enqueue_dma source(%dma_start3A_89 : memref<2048xi32, #tpu.memory_space<hbm>>) target(%arg16 : memref<2048xi32, #tpu.memory_space<vmem>>) target_semaphore(%arg20 : memref<!tpu.dma_semaphore, #tpu.memory_space<semaphore_mem>>)
        %mul3A_90 = arith.constant 2048 : i32
        %mul3A_91 = arith.muli %add3A_80, %mul3A_90 : i32
        %dma_start3A_92 = tpu.memref_slice %arg4[%mul3A_91] : memref<323584xi32, #tpu.memory_space<hbm>> -> memref<2048xi32, #tpu.memory_space<hbm>>
        %dma_start3A_93 = tpu.memref_slice %arg4[%mul3A_91] : memref<323584xi32, #tpu.memory_space<hbm>> -> memref<2048xi32, #tpu.memory_space<hbm>>
        tpu.enqueue_dma source(%dma_start3A_93 : memref<2048xi32, #tpu.memory_space<hbm>>) target(%arg18 : memref<2048xi32, #tpu.memory_space<vmem>>) target_semaphore(%arg22 : memref<!tpu.dma_semaphore, #tpu.memory_space<semaphore_mem>>)
      } else {
      }
    }
    %scan3A_30 = arith.constant 79 : i32
    %add3A_31 = arith.constant 0 : i32
    %add3A_32 = arith.addi %mul3A_2, %add3A_31 : i32
    "tpu.region"() ({
      %run_scoped3A = tpu.sem_alloc : memref<!tpu.dma_semaphore, #tpu.memory_space<semaphore_mem>>
      %dma_start3A_39 = arith.constant 0 : i32
      %dma_start3A_40 = tpu.memref_slice %arg6[%add3A_32, %dma_start3A_39] : memref<128x10240xf32, #tpu.memory_space<hbm>> -> memref<1x10240xf32, #tpu.memory_space<hbm>>
      %dma_start3A_41 = tpu.memref_squeeze %dma_start3A_40 : memref<1x10240xf32, #tpu.memory_space<hbm>> -> memref<10240xf32, #tpu.memory_space<hbm>>
      %dma_start3A_42 = arith.constant 0 : i32
      %dma_start3A_43 = tpu.memref_slice %arg6[%add3A_32, %dma_start3A_42] : memref<128x10240xf32, #tpu.memory_space<hbm>> -> memref<1x10240xf32, #tpu.memory_space<hbm>>
      %dma_start3A_44 = tpu.memref_squeeze %dma_start3A_43 : memref<1x10240xf32, #tpu.memory_space<hbm>> -> memref<10240xf32, #tpu.memory_space<hbm>>
      tpu.enqueue_dma source(%arg11 : memref<10240xf32, #tpu.memory_space<vmem>>) target(%dma_start3A_44 : memref<10240xf32, #tpu.memory_space<hbm>>) target_semaphore(%run_scoped3A : memref<!tpu.dma_semaphore, #tpu.memory_space<semaphore_mem>>)
      %dma_wait3A = arith.constant 0 : i32
      %dma_wait3A_45 = tpu.memref_slice %arg6[%add3A_32, %dma_wait3A] : memref<128x10240xf32, #tpu.memory_space<hbm>> -> memref<1x10240xf32, #tpu.memory_space<hbm>>
      %dma_wait3A_46 = tpu.memref_squeeze %dma_wait3A_45 : memref<1x10240xf32, #tpu.memory_space<hbm>> -> memref<10240xf32, #tpu.memory_space<hbm>>
      %dma_wait3A_47 = arith.constant 0 : i32
      %dma_wait3A_48 = tpu.memref_slice %arg6[%add3A_32, %dma_wait3A_47] : memref<128x10240xf32, #tpu.memory_space<hbm>> -> memref<1x10240xf32, #tpu.memory_space<hbm>>
      %dma_wait3A_49 = tpu.memref_squeeze %dma_wait3A_48 : memref<1x10240xf32, #tpu.memory_space<hbm>> -> memref<10240xf32, #tpu.memory_space<hbm>>
      tpu.wait_dma2 semaphore(%run_scoped3A : memref<!tpu.dma_semaphore, #tpu.memory_space<semaphore_mem>>) src(%arg11 : memref<10240xf32, #tpu.memory_space<vmem>>) dst(%dma_wait3A_49 : memref<10240xf32, #tpu.memory_space<hbm>>)
      tpu.yield
    }) : () -> ()
    %add3A_33 = arith.constant 1 : i32
    %add3A_34 = arith.addi %mul3A_2, %add3A_33 : i32
    "tpu.region"() ({
      %run_scoped3A = tpu.sem_alloc : memref<!tpu.dma_semaphore, #tpu.memory_space<semaphore_mem>>
      %dma_start3A_39 = arith.constant 0 : i32
      %dma_start3A_40 = tpu.memref_slice %arg6[%add3A_34, %dma_start3A_39] : memref<128x10240xf32, #tpu.memory_space<hbm>> -> memref<1x10240xf32, #tpu.memory_space<hbm>>
      %dma_start3A_41 = tpu.memref_squeeze %dma_start3A_40 : memref<1x10240xf32, #tpu.memory_space<hbm>> -> memref<10240xf32, #tpu.memory_space<hbm>>
      %dma_start3A_42 = arith.constant 0 : i32
      %dma_start3A_43 = tpu.memref_slice %arg6[%add3A_34, %dma_start3A_42] : memref<128x10240xf32, #tpu.memory_space<hbm>> -> memref<1x10240xf32, #tpu.memory_space<hbm>>
      %dma_start3A_44 = tpu.memref_squeeze %dma_start3A_43 : memref<1x10240xf32, #tpu.memory_space<hbm>> -> memref<10240xf32, #tpu.memory_space<hbm>>
      tpu.enqueue_dma source(%arg12 : memref<10240xf32, #tpu.memory_space<vmem>>) target(%dma_start3A_44 : memref<10240xf32, #tpu.memory_space<hbm>>) target_semaphore(%run_scoped3A : memref<!tpu.dma_semaphore, #tpu.memory_space<semaphore_mem>>)
      %dma_wait3A = arith.constant 0 : i32
      %dma_wait3A_45 = tpu.memref_slice %arg6[%add3A_34, %dma_wait3A] : memref<128x10240xf32, #tpu.memory_space<hbm>> -> memref<1x10240xf32, #tpu.memory_space<hbm>>
      %dma_wait3A_46 = tpu.memref_squeeze %dma_wait3A_45 : memref<1x10240xf32, #tpu.memory_space<hbm>> -> memref<10240xf32, #tpu.memory_space<hbm>>
      %dma_wait3A_47 = arith.constant 0 : i32
      %dma_wait3A_48 = tpu.memref_slice %arg6[%add3A_34, %dma_wait3A_47] : memref<128x10240xf32, #tpu.memory_space<hbm>> -> memref<1x10240xf32, #tpu.memory_space<hbm>>
      %dma_wait3A_49 = tpu.memref_squeeze %dma_wait3A_48 : memref<1x10240xf32, #tpu.memory_space<hbm>> -> memref<10240xf32, #tpu.memory_space<hbm>>
      tpu.wait_dma2 semaphore(%run_scoped3A : memref<!tpu.dma_semaphore, #tpu.memory_space<semaphore_mem>>) src(%arg12 : memref<10240xf32, #tpu.memory_space<vmem>>) dst(%dma_wait3A_49 : memref<10240xf32, #tpu.memory_space<hbm>>)
      tpu.yield
    }) : () -> ()
    %add3A_35 = arith.constant 2 : i32
    %add3A_36 = arith.addi %mul3A_2, %add3A_35 : i32
    "tpu.region"() ({
      %run_scoped3A = tpu.sem_alloc : memref<!tpu.dma_semaphore, #tpu.memory_space<semaphore_mem>>
      %dma_start3A_39 = arith.constant 0 : i32
      %dma_start3A_40 = tpu.memref_slice %arg6[%add3A_36, %dma_start3A_39] : memref<128x10240xf32, #tpu.memory_space<hbm>> -> memref<1x10240xf32, #tpu.memory_space<hbm>>
      %dma_start3A_41 = tpu.memref_squeeze %dma_start3A_40 : memref<1x10240xf32, #tpu.memory_space<hbm>> -> memref<10240xf32, #tpu.memory_space<hbm>>
      %dma_start3A_42 = arith.constant 0 : i32
      %dma_start3A_43 = tpu.memref_slice %arg6[%add3A_36, %dma_start3A_42] : memref<128x10240xf32, #tpu.memory_space<hbm>> -> memref<1x10240xf32, #tpu.memory_space<hbm>>
      %dma_start3A_44 = tpu.memref_squeeze %dma_start3A_43 : memref<1x10240xf32, #tpu.memory_space<hbm>> -> memref<10240xf32, #tpu.memory_space<hbm>>
      tpu.enqueue_dma source(%arg13 : memref<10240xf32, #tpu.memory_space<vmem>>) target(%dma_start3A_44 : memref<10240xf32, #tpu.memory_space<hbm>>) target_semaphore(%run_scoped3A : memref<!tpu.dma_semaphore, #tpu.memory_space<semaphore_mem>>)
      %dma_wait3A = arith.constant 0 : i32
      %dma_wait3A_45 = tpu.memref_slice %arg6[%add3A_36, %dma_wait3A] : memref<128x10240xf32, #tpu.memory_space<hbm>> -> memref<1x10240xf32, #tpu.memory_space<hbm>>
      %dma_wait3A_46 = tpu.memref_squeeze %dma_wait3A_45 : memref<1x10240xf32, #tpu.memory_space<hbm>> -> memref<10240xf32, #tpu.memory_space<hbm>>
      %dma_wait3A_47 = arith.constant 0 : i32
      %dma_wait3A_48 = tpu.memref_slice %arg6[%add3A_36, %dma_wait3A_47] : memref<128x10240xf32, #tpu.memory_space<hbm>> -> memref<1x10240xf32, #tpu.memory_space<hbm>>
      %dma_wait3A_49 = tpu.memref_squeeze %dma_wait3A_48 : memref<1x10240xf32, #tpu.memory_space<hbm>> -> memref<10240xf32, #tpu.memory_space<hbm>>
      tpu.wait_dma2 semaphore(%run_scoped3A : memref<!tpu.dma_semaphore, #tpu.memory_space<semaphore_mem>>) src(%arg13 : memref<10240xf32, #tpu.memory_space<vmem>>) dst(%dma_wait3A_49 : memref<10240xf32, #tpu.memory_space<hbm>>)
      tpu.yield
    }) : () -> ()
    %add3A_37 = arith.constant 3 : i32
    %add3A_38 = arith.addi %mul3A_2, %add3A_37 : i32
    "tpu.region"() ({
      %run_scoped3A = tpu.sem_alloc : memref<!tpu.dma_semaphore, #tpu.memory_space<semaphore_mem>>
      %dma_start3A_39 = arith.constant 0 : i32
      %dma_start3A_40 = tpu.memref_slice %arg6[%add3A_38, %dma_start3A_39] : memref<128x10240xf32, #tpu.memory_space<hbm>> -> memref<1x10240xf32, #tpu.memory_space<hbm>>
      %dma_start3A_41 = tpu.memref_squeeze %dma_start3A_40 : memref<1x10240xf32, #tpu.memory_space<hbm>> -> memref<10240xf32, #tpu.memory_space<hbm>>
      %dma_start3A_42 = arith.constant 0 : i32
      %dma_start3A_43 = tpu.memref_slice %arg6[%add3A_38, %dma_start3A_42] : memref<128x10240xf32, #tpu.memory_space<hbm>> -> memref<1x10240xf32, #tpu.memory_space<hbm>>
      %dma_start3A_44 = tpu.memref_squeeze %dma_start3A_43 : memref<1x10240xf32, #tpu.memory_space<hbm>> -> memref<10240xf32, #tpu.memory_space<hbm>>
      tpu.enqueue_dma source(%arg14 : memref<10240xf32, #tpu.memory_space<vmem>>) target(%dma_start3A_44 : memref<10240xf32, #tpu.memory_space<hbm>>) target_semaphore(%run_scoped3A : memref<!tpu.dma_semaphore, #tpu.memory_space<semaphore_mem>>)
      %dma_wait3A = arith.constant 0 : i32
      %dma_wait3A_45 = tpu.memref_slice %arg6[%add3A_38, %dma_wait3A] : memref<128x10240xf32, #tpu.memory_space<hbm>> -> memref<1x10240xf32, #tpu.memory_space<hbm>>
      %dma_wait3A_46 = tpu.memref_squeeze %dma_wait3A_45 : memref<1x10240xf32, #tpu.memory_space<hbm>> -> memref<10240xf32, #tpu.memory_space<hbm>>
      %dma_wait3A_47 = arith.constant 0 : i32
      %dma_wait3A_48 = tpu.memref_slice %arg6[%add3A_38, %dma_wait3A_47] : memref<128x10240xf32, #tpu.memory_space<hbm>> -> memref<1x10240xf32, #tpu.memory_space<hbm>>
      %dma_wait3A_49 = tpu.memref_squeeze %dma_wait3A_48 : memref<1x10240xf32, #tpu.memory_space<hbm>> -> memref<10240xf32, #tpu.memory_space<hbm>>
      tpu.wait_dma2 semaphore(%run_scoped3A : memref<!tpu.dma_semaphore, #tpu.memory_space<semaphore_mem>>) src(%arg14 : memref<10240xf32, #tpu.memory_space<vmem>>) dst(%dma_wait3A_49 : memref<10240xf32, #tpu.memory_space<hbm>>)
      tpu.yield
    }) : () -> ()
    return
  }
}

#map = affine_map<(d0, d1) -> (0, 0, 0, 0)>
#map1 = affine_map<(d0, d1) -> (0)>
#map2 = affine_map<(d0, d1) -> (0, 0, 0)>
module attributes {stable_mosaic.version = 14 : i64} {
  func.func @_deg_kernel(%arg0: i32, %arg1: i32, %arg2: memref<2x16x79x128xi32, #tpu.memory_space<hbm>>, %arg3: memref<10240xf32, #tpu.memory_space<hbm>>, %arg4: memref<2x16x10240xf32, #tpu.memory_space<hbm>>, %arg5: memref<79x128xi32, #tpu.memory_space<vmem>>, %arg6: memref<10240xf32, #tpu.memory_space<vmem>>) attributes {dimension_semantics = [#tpu.dimension_semantics<core_parallel>, #tpu.dimension_semantics<subcore_parallel>], iteration_bounds = array<i64: 2, 16>, scalar_prefetch = 0 : i64, scratch_operands = 2 : i64, tpu.core_type = #tpu.core_type<sc_vector_subcore>, window_params = [{transform_indices = #map}, {transform_indices = #map1}, {transform_indices = #map2}]} {
    "tpu.region"() ({
      %run_scoped3A = tpu.sem_alloc : memref<!tpu.dma_semaphore, #tpu.memory_space<semaphore_mem>>
      tpu.enqueue_dma source(%arg3 : memref<10240xf32, #tpu.memory_space<hbm>>) target(%arg6 : memref<10240xf32, #tpu.memory_space<vmem>>) target_semaphore(%run_scoped3A : memref<!tpu.dma_semaphore, #tpu.memory_space<semaphore_mem>>)
      tpu.wait_dma2 semaphore(%run_scoped3A : memref<!tpu.dma_semaphore, #tpu.memory_space<semaphore_mem>>) src(%arg3 : memref<10240xf32, #tpu.memory_space<hbm>>) dst(%arg6 : memref<10240xf32, #tpu.memory_space<vmem>>)
      tpu.yield
    }) : () -> ()
    "tpu.region"() ({
      %run_scoped3A = tpu.sem_alloc : memref<!tpu.dma_semaphore, #tpu.memory_space<semaphore_mem>>
      %dma_start3A = arith.constant 0 : i32
      %dma_start3A_6 = arith.constant 0 : i32
      %dma_start3A_7 = tpu.memref_slice %arg2[%arg0, %arg1, %dma_start3A, %dma_start3A_6] : memref<2x16x79x128xi32, #tpu.memory_space<hbm>> -> memref<1x1x79x128xi32, #tpu.memory_space<hbm>>
      %dma_start3A_8 = tpu.memref_squeeze %dma_start3A_7 : memref<1x1x79x128xi32, #tpu.memory_space<hbm>> -> memref<79x128xi32, #tpu.memory_space<hbm>>
      %dma_start3A_9 = arith.constant 0 : i32
      %dma_start3A_10 = arith.constant 0 : i32
      %dma_start3A_11 = tpu.memref_slice %arg2[%arg0, %arg1, %dma_start3A_9, %dma_start3A_10] : memref<2x16x79x128xi32, #tpu.memory_space<hbm>> -> memref<1x1x79x128xi32, #tpu.memory_space<hbm>>
      %dma_start3A_12 = tpu.memref_squeeze %dma_start3A_11 : memref<1x1x79x128xi32, #tpu.memory_space<hbm>> -> memref<79x128xi32, #tpu.memory_space<hbm>>
      tpu.enqueue_dma source(%dma_start3A_12 : memref<79x128xi32, #tpu.memory_space<hbm>>) target(%arg5 : memref<79x128xi32, #tpu.memory_space<vmem>>) target_semaphore(%run_scoped3A : memref<!tpu.dma_semaphore, #tpu.memory_space<semaphore_mem>>)
      %dma_wait3A = arith.constant 0 : i32
      %dma_wait3A_13 = arith.constant 0 : i32
      %dma_wait3A_14 = tpu.memref_slice %arg2[%arg0, %arg1, %dma_wait3A, %dma_wait3A_13] : memref<2x16x79x128xi32, #tpu.memory_space<hbm>> -> memref<1x1x79x128xi32, #tpu.memory_space<hbm>>
      %dma_wait3A_15 = tpu.memref_squeeze %dma_wait3A_14 : memref<1x1x79x128xi32, #tpu.memory_space<hbm>> -> memref<79x128xi32, #tpu.memory_space<hbm>>
      %dma_wait3A_16 = arith.constant 0 : i32
      %dma_wait3A_17 = arith.constant 0 : i32
      %dma_wait3A_18 = tpu.memref_slice %arg2[%arg0, %arg1, %dma_wait3A_16, %dma_wait3A_17] : memref<2x16x79x128xi32, #tpu.memory_space<hbm>> -> memref<1x1x79x128xi32, #tpu.memory_space<hbm>>
      %dma_wait3A_19 = tpu.memref_squeeze %dma_wait3A_18 : memref<1x1x79x128xi32, #tpu.memory_space<hbm>> -> memref<79x128xi32, #tpu.memory_space<hbm>>
      tpu.wait_dma2 semaphore(%run_scoped3A : memref<!tpu.dma_semaphore, #tpu.memory_space<semaphore_mem>>) src(%dma_wait3A_19 : memref<79x128xi32, #tpu.memory_space<hbm>>) dst(%arg5 : memref<79x128xi32, #tpu.memory_space<vmem>>)
      tpu.yield
    }) : () -> ()
    %broadcast_in_dim3A = arith.constant 1.000000e+00 : f32
    %broadcast_in_dim3A_0 = vector.broadcast %broadcast_in_dim3A : f32 to vector<16xf32>
    %scan3A = arith.constant 0 : i32
    %scan3A_1 = arith.constant 0 : i32
    %scan3A_2 = arith.constant 79 : i32
    %scan3A_3 = arith.addi %scan3A_1, %scan3A_2 : i32
    %scan3A_4 = arith.constant 1 : i32
    scf.for %scan3A_6 = %scan3A_1 to %scan3A_3 step %scan3A_4  : i32 {
      %get3A = arith.index_cast %scan3A_6 : i32 to index
      %get3A_7 = arith.constant 0 : index
      %get3A_8 = tpu.vector_load %arg5[%get3A, %get3A_7] {strides = array<i32>} : memref<79x128xi32, #tpu.memory_space<vmem>>, vector<16xi32>,
      %get3A_9 = arith.index_cast %scan3A_6 : i32 to index
      %get3A_10 = arith.constant 16 : index
      %get3A_11 = tpu.vector_load %arg5[%get3A_9, %get3A_10] {strides = array<i32>} : memref<79x128xi32, #tpu.memory_space<vmem>>, vector<16xi32>,
      %get3A_12 = arith.index_cast %scan3A_6 : i32 to index
      %get3A_13 = arith.constant 32 : index
      %get3A_14 = tpu.vector_load %arg5[%get3A_12, %get3A_13] {strides = array<i32>} : memref<79x128xi32, #tpu.memory_space<vmem>>, vector<16xi32>,
      %get3A_15 = arith.index_cast %scan3A_6 : i32 to index
      %get3A_16 = arith.constant 48 : index
      %get3A_17 = tpu.vector_load %arg5[%get3A_15, %get3A_16] {strides = array<i32>} : memref<79x128xi32, #tpu.memory_space<vmem>>, vector<16xi32>,
      %get3A_18 = arith.index_cast %scan3A_6 : i32 to index
      %get3A_19 = arith.constant 64 : index
      %get3A_20 = tpu.vector_load %arg5[%get3A_18, %get3A_19] {strides = array<i32>} : memref<79x128xi32, #tpu.memory_space<vmem>>, vector<16xi32>,
      %get3A_21 = arith.index_cast %scan3A_6 : i32 to index
      %get3A_22 = arith.constant 80 : index
      %get3A_23 = tpu.vector_load %arg5[%get3A_21, %get3A_22] {strides = array<i32>} : memref<79x128xi32, #tpu.memory_space<vmem>>, vector<16xi32>,
      %get3A_24 = arith.index_cast %scan3A_6 : i32 to index
      %get3A_25 = arith.constant 96 : index
      %get3A_26 = tpu.vector_load %arg5[%get3A_24, %get3A_25] {strides = array<i32>} : memref<79x128xi32, #tpu.memory_space<vmem>>, vector<16xi32>,
      %get3A_27 = arith.index_cast %scan3A_6 : i32 to index
      %get3A_28 = arith.constant 112 : index
      %get3A_29 = tpu.vector_load %arg5[%get3A_27, %get3A_28] {strides = array<i32>} : memref<79x128xi32, #tpu.memory_space<vmem>>, vector<16xi32>,
      tpu.vector_store_idx %arg6[%get3A_8], %broadcast_in_dim3A_0 {add = true} : memref<10240xf32, #tpu.memory_space<vmem>>[vector<16xi32>], vector<16xf32>,
      tpu.vector_store_idx %arg6[%get3A_11], %broadcast_in_dim3A_0 {add = true} : memref<10240xf32, #tpu.memory_space<vmem>>[vector<16xi32>], vector<16xf32>,
      tpu.vector_store_idx %arg6[%get3A_14], %broadcast_in_dim3A_0 {add = true} : memref<10240xf32, #tpu.memory_space<vmem>>[vector<16xi32>], vector<16xf32>,
      tpu.vector_store_idx %arg6[%get3A_17], %broadcast_in_dim3A_0 {add = true} : memref<10240xf32, #tpu.memory_space<vmem>>[vector<16xi32>], vector<16xf32>,
      tpu.vector_store_idx %arg6[%get3A_20], %broadcast_in_dim3A_0 {add = true} : memref<10240xf32, #tpu.memory_space<vmem>>[vector<16xi32>], vector<16xf32>,
      tpu.vector_store_idx %arg6[%get3A_23], %broadcast_in_dim3A_0 {add = true} : memref<10240xf32, #tpu.memory_space<vmem>>[vector<16xi32>], vector<16xf32>,
      tpu.vector_store_idx %arg6[%get3A_26], %broadcast_in_dim3A_0 {add = true} : memref<10240xf32, #tpu.memory_space<vmem>>[vector<16xi32>], vector<16xf32>,
      tpu.vector_store_idx %arg6[%get3A_29], %broadcast_in_dim3A_0 {add = true} : memref<10240xf32, #tpu.memory_space<vmem>>[vector<16xi32>], vector<16xf32>,
    }
    %scan3A_5 = arith.constant 79 : i32
    "tpu.region"() ({
      %run_scoped3A = tpu.sem_alloc : memref<!tpu.dma_semaphore, #tpu.memory_space<semaphore_mem>>
      %dma_start3A = arith.constant 0 : i32
      %dma_start3A_6 = tpu.memref_slice %arg4[%arg0, %arg1, %dma_start3A] : memref<2x16x10240xf32, #tpu.memory_space<hbm>> -> memref<1x1x10240xf32, #tpu.memory_space<hbm>>
      %dma_start3A_7 = tpu.memref_squeeze %dma_start3A_6 : memref<1x1x10240xf32, #tpu.memory_space<hbm>> -> memref<10240xf32, #tpu.memory_space<hbm>>
      %dma_start3A_8 = arith.constant 0 : i32
      %dma_start3A_9 = tpu.memref_slice %arg4[%arg0, %arg1, %dma_start3A_8] : memref<2x16x10240xf32, #tpu.memory_space<hbm>> -> memref<1x1x10240xf32, #tpu.memory_space<hbm>>
      %dma_start3A_10 = tpu.memref_squeeze %dma_start3A_9 : memref<1x1x10240xf32, #tpu.memory_space<hbm>> -> memref<10240xf32, #tpu.memory_space<hbm>>
      tpu.enqueue_dma source(%arg6 : memref<10240xf32, #tpu.memory_space<vmem>>) target(%dma_start3A_10 : memref<10240xf32, #tpu.memory_space<hbm>>) target_semaphore(%run_scoped3A : memref<!tpu.dma_semaphore, #tpu.memory_space<semaphore_mem>>)
      %dma_wait3A = arith.constant 0 : i32
      %dma_wait3A_11 = tpu.memref_slice %arg4[%arg0, %arg1, %dma_wait3A] : memref<2x16x10240xf32, #tpu.memory_space<hbm>> -> memref<1x1x10240xf32, #tpu.memory_space<hbm>>
      %dma_wait3A_12 = tpu.memref_squeeze %dma_wait3A_11 : memref<1x1x10240xf32, #tpu.memory_space<hbm>> -> memref<10240xf32, #tpu.memory_space<hbm>>
      %dma_wait3A_13 = arith.constant 0 : i32
      %dma_wait3A_14 = tpu.memref_slice %arg4[%arg0, %arg1, %dma_wait3A_13] : memref<2x16x10240xf32, #tpu.memory_space<hbm>> -> memref<1x1x10240xf32, #tpu.memory_space<hbm>>
      %dma_wait3A_15 = tpu.memref_squeeze %dma_wait3A_14 : memref<1x1x10240xf32, #tpu.memory_space<hbm>> -> memref<10240xf32, #tpu.memory_space<hbm>>
      tpu.wait_dma2 semaphore(%run_scoped3A : memref<!tpu.dma_semaphore, #tpu.memory_space<semaphore_mem>>) src(%arg6 : memref<10240xf32, #tpu.memory_space<vmem>>) dst(%dma_wait3A_15 : memref<10240xf32, #tpu.memory_space<hbm>>)
      tpu.yield
    }) : () -> ()
    return
  }
}

module attributes {stable_mosaic.version = 14 : i64} {
  func.func @_dense_body(%arg0: memref<10000x128xf32, #tpu.memory_space<vmem>>, %arg1: memref<128x128xf32, #tpu.memory_space<vmem>>, %arg2: memref<128x1xf32, #tpu.memory_space<vmem>>, %arg3: memref<128x128xf32, #tpu.memory_space<vmem>>, %arg4: memref<128x10240xf32, #tpu.memory_space<vmem>>) attributes {dimension_semantics = [], scalar_prefetch = 0 : i64, scratch_operands = 0 : i64, tpu.core_type = #tpu.core_type<tc>} {
    %get3A = arith.constant 0 : index
    %get3A_0 = arith.constant 0 : index
    %get3A_1 = vector.load %arg1[%get3A, %get3A_0] : memref<128x128xf32, #tpu.memory_space<vmem>>, vector<128x128xf32>
    %get3A_2 = arith.constant 0 : index
    %get3A_3 = arith.constant 0 : index
    %get3A_4 = vector.load %arg0[%get3A_2, %get3A_3] : memref<10000x128xf32, #tpu.memory_space<vmem>>, vector<10000x128xf32>
    %dot_general3A = arith.constant dense<0.000000e+00> : vector<128x10000xf32>
    %dot_general3A_5 = tpu.matmul %get3A_1, %get3A_4, %dot_general3A {dimension_numbers = #tpu.dot_dimension_numbers<[1], [1], [0], [0], [0, 0, 1, 0], [], []>, transpose_lhs_hint = false} : vector<128x128xf32>, vector<10000x128xf32>, vector<128x10000xf32> -> vector<128x10000xf32>
    %get3A_6 = arith.constant 0 : index
    %get3A_7 = arith.constant 0 : index
    %get3A_8 = vector.load %arg2[%get3A_6, %get3A_7] : memref<128x1xf32, #tpu.memory_space<vmem>>, vector<128x1xf32>
    %add3A = vector.broadcast %get3A_8 : vector<128x1xf32> to vector<128x10000xf32>
    %add3A_9 = arith.addf %dot_general3A_5, %add3A : vector<128x10000xf32>
    %max3A = arith.constant 0.000000e+00 : f32
    %max3A_10 = vector.broadcast %max3A : f32 to vector<128x10000xf32>
    %max3A_11 = arith.maximumf %add3A_9, %max3A_10 : vector<128x10000xf32>
    %broadcast_in_dim3A = arith.constant 0.000000e+00 : f32
    %broadcast_in_dim3A_12 = vector.broadcast %broadcast_in_dim3A : f32 to vector<128x240xf32>
    %concatenate3A = tpu.concatenate %max3A_11, %broadcast_in_dim3A_12 in 1 : vector<128x10000xf32>, vector<128x240xf32> -> vector<128x10240xf32>
    %get3A_13 = arith.constant 0 : index
    %get3A_14 = arith.constant 0 : index
    %get3A_15 = vector.load %arg3[%get3A_13, %get3A_14] : memref<128x128xf32, #tpu.memory_space<vmem>>, vector<128x128xf32>
    %dot_general3A_16 = arith.constant dense<0.000000e+00> : vector<128x10240xf32>
    %dot_general3A_17 = tpu.matmul %get3A_15, %concatenate3A, %dot_general3A_16 {dimension_numbers = #tpu.dot_dimension_numbers<[1], [0], [0], [1], [0, 0, 1, 1], [], []>, transpose_lhs_hint = false} : vector<128x128xf32>, vector<128x10240xf32>, vector<128x10240xf32> -> vector<128x10240xf32>
    %swap3A = arith.constant 0 : index
    %swap3A_18 = arith.constant 0 : index
    %swap3A_19 = vector.load %arg4[%swap3A, %swap3A_18] : memref<128x10240xf32, #tpu.memory_space<vmem>>, vector<128x10240xf32>
    tpu.vector_store %arg4[%swap3A, %swap3A_18], %dot_general3A_17 {strides = array<i32>} : memref<128x10240xf32, #tpu.memory_space<vmem>>, vector<128x10240xf32>,
    return
  }
}

module attributes {stable_mosaic.version = 14 : i64} {
  func.func @_scale_body(%arg0: memref<128x10240xf32, #tpu.memory_space<vmem>>, %arg1: memref<32x1x10240xf32, #tpu.memory_space<vmem>>, %arg2: memref<128x10240xf32, #tpu.memory_space<vmem>>, %arg3: memref<1x10240xf32, #tpu.memory_space<vmem>>) attributes {dimension_semantics = [], scalar_prefetch = 0 : i64, scratch_operands = 0 : i64, tpu.core_type = #tpu.core_type<tc>} {
    %get3A = arith.constant 0 : index
    %get3A_0 = arith.constant 0 : index
    %get3A_1 = arith.constant 0 : index
    %get3A_2 = vector.load %arg1[%get3A, %get3A_0, %get3A_1] : memref<32x1x10240xf32, #tpu.memory_space<vmem>>, vector<32x1x10240xf32>
    %reduce_sum3A = arith.constant dense<0.000000e+00> : vector<1x10240xf32>
    %reduce_sum3A_3 = vector.multi_reduction <add>, %get3A_2, %reduce_sum3A [0] : vector<32x1x10240xf32> to vector<1x10240xf32>
    %add3A = arith.constant 1.000000e+00 : f32
    %add3A_4 = vector.broadcast %add3A : f32 to vector<1x10240xf32>
    %add3A_5 = arith.addf %reduce_sum3A_3, %add3A_4 : vector<1x10240xf32>
    %rsqrt3A = math.rsqrt %add3A_5 : vector<1x10240xf32>
    %get3A_6 = arith.constant 0 : index
    %get3A_7 = arith.constant 0 : index
    %get3A_8 = vector.load %arg0[%get3A_6, %get3A_7] : memref<128x10240xf32, #tpu.memory_space<vmem>>, vector<128x10240xf32>
    %mul3A = vector.broadcast %rsqrt3A : vector<1x10240xf32> to vector<128x10240xf32>
    %mul3A_9 = arith.mulf %get3A_8, %mul3A : vector<128x10240xf32>
    %swap3A = arith.constant 0 : index
    %swap3A_10 = arith.constant 0 : index
    %swap3A_11 = vector.load %arg2[%swap3A, %swap3A_10] : memref<128x10240xf32, #tpu.memory_space<vmem>>, vector<128x10240xf32>
    tpu.vector_store %arg2[%swap3A, %swap3A_10], %mul3A_9 {strides = array<i32>} : memref<128x10240xf32, #tpu.memory_space<vmem>>, vector<128x10240xf32>,
    %swap3A_12 = arith.constant 0 : index
    %swap3A_13 = arith.constant 0 : index
    %swap3A_14 = vector.load %arg3[%swap3A_12, %swap3A_13] : memref<1x10240xf32, #tpu.memory_space<vmem>>, vector<1x10240xf32>
    tpu.vector_store %arg3[%swap3A_12, %swap3A_13], %rsqrt3A {strides = array<i32>} : memref<1x10240xf32, #tpu.memory_space<vmem>>, vector<1x10240xf32>,
    return
  }
}

module attributes {stable_mosaic.version = 14 : i64} {
  func.func @_post_body(%arg0: memref<128x10240xf32, #tpu.memory_space<vmem>>, %arg1: memref<128x10240xf32, #tpu.memory_space<vmem>>, %arg2: memref<1x10240xf32, #tpu.memory_space<vmem>>, %arg3: memref<128x1xf32, #tpu.memory_space<vmem>>, %arg4: memref<1x10240xi32, #tpu.memory_space<vmem>>, %arg5: memref<128x1xf32, #tpu.memory_space<vmem>>, %arg6: memref<1x1xf32, #tpu.memory_space<vmem>>, %arg7: memref<64x1xf32, #tpu.memory_space<vmem>>) attributes {dimension_semantics = [], scalar_prefetch = 0 : i64, scratch_operands = 0 : i64, tpu.core_type = #tpu.core_type<tc>} {
    %get3A = arith.constant 0 : index
    %get3A_0 = arith.constant 0 : index
    %get3A_1 = vector.load %arg2[%get3A, %get3A_0] : memref<1x10240xf32, #tpu.memory_space<vmem>>, vector<1x10240xf32>
    %get3A_2 = arith.constant 0 : index
    %get3A_3 = arith.constant 0 : index
    %get3A_4 = vector.load %arg0[%get3A_2, %get3A_3] : memref<128x10240xf32, #tpu.memory_space<vmem>>, vector<128x10240xf32>
    %mul3A = vector.broadcast %get3A_1 : vector<1x10240xf32> to vector<128x10240xf32>
    %mul3A_5 = arith.mulf %mul3A, %get3A_4 : vector<128x10240xf32>
    %mul3A_6 = arith.mulf %get3A_1, %get3A_1 : vector<1x10240xf32>
    %get3A_7 = arith.constant 0 : index
    %get3A_8 = arith.constant 0 : index
    %get3A_9 = vector.load %arg1[%get3A_7, %get3A_8] : memref<128x10240xf32, #tpu.memory_space<vmem>>, vector<128x10240xf32>
    %mul3A_10 = vector.broadcast %mul3A_6 : vector<1x10240xf32> to vector<128x10240xf32>
    %mul3A_11 = arith.mulf %mul3A_10, %get3A_9 : vector<128x10240xf32>
    %add3A = arith.addf %mul3A_5, %mul3A_11 : vector<128x10240xf32>
    %get3A_12 = arith.constant 0 : index
    %get3A_13 = arith.constant 0 : index
    %get3A_14 = vector.load %arg3[%get3A_12, %get3A_13] : memref<128x1xf32, #tpu.memory_space<vmem>>, vector<128x1xf32>
    %add3A_15 = vector.broadcast %get3A_14 : vector<128x1xf32> to vector<128x10240xf32>
    %add3A_16 = arith.addf %add3A, %add3A_15 : vector<128x10240xf32>
    %max3A = arith.constant 0.000000e+00 : f32
    %max3A_17 = vector.broadcast %max3A : f32 to vector<128x10240xf32>
    %max3A_18 = arith.maximumf %add3A_16, %max3A_17 : vector<128x10240xf32>
    %iota3A = tpu.iota {dimensions = array<i32: 0>} : vector<64x10240xi32>
    %get3A_19 = arith.constant 0 : index
    %get3A_20 = arith.constant 0 : index
    %get3A_21 = vector.load %arg4[%get3A_19, %get3A_20] : memref<1x10240xi32, #tpu.memory_space<vmem>>, vector<1x10240xi32>
    %eq3A = vector.broadcast %get3A_21 : vector<1x10240xi32> to vector<64x10240xi32>
    %eq3A_22 = arith.cmpi eq, %eq3A, %iota3A : vector<64x10240xi32>
    %convert_element_type3A = arith.extui %eq3A_22 : vector<64x10240xi1> to vector<64x10240xi32>
    %convert_element_type3A_23 = arith.sitofp %convert_element_type3A : vector<64x10240xi32> to vector<64x10240xf32>
    %dot_general3A = arith.constant dense<0.000000e+00> : vector<128x64xf32>
    %dot_general3A_24 = tpu.matmul %max3A_18, %convert_element_type3A_23, %dot_general3A {dimension_numbers = #tpu.dot_dimension_numbers<[1], [1], [0], [0], [0, 0, 1, 0], [], []>, transpose_lhs_hint = false} : vector<128x10240xf32>, vector<64x10240xf32>, vector<128x64xf32> -> vector<128x64xf32>
    %broadcast_in_dim3A = arith.constant 1.000000e+00 : f32
    %broadcast_in_dim3A_25 = vector.broadcast %broadcast_in_dim3A : f32 to vector<1x10240xf32>
    %dot_general3A_26 = arith.constant dense<0.000000e+00> : vector<1x64xf32>
    %dot_general3A_27 = tpu.matmul %broadcast_in_dim3A_25, %convert_element_type3A_23, %dot_general3A_26 {dimension_numbers = #tpu.dot_dimension_numbers<[1], [1], [0], [0], [0, 0, 1, 0], [], []>, transpose_lhs_hint = false} : vector<1x10240xf32>, vector<64x10240xf32>, vector<1x64xf32> -> vector<1x64xf32>
    %max3A_28 = arith.constant 1.000000e+00 : f32
    %max3A_29 = vector.broadcast %max3A_28 : f32 to vector<1x64xf32>
    %max3A_30 = arith.maximumf %dot_general3A_27, %max3A_29 : vector<1x64xf32>
    %div3A = vector.broadcast %max3A_30 : vector<1x64xf32> to vector<128x64xf32>
    %div3A_31 = arith.divf %dot_general3A_24, %div3A : vector<128x64xf32>
    %get3A_32 = arith.constant 0 : index
    %get3A_33 = arith.constant 0 : index
    %get3A_34 = vector.load %arg5[%get3A_32, %get3A_33] : memref<128x1xf32, #tpu.memory_space<vmem>>, vector<128x1xf32>
    %dot_general3A_35 = arith.constant dense<0.000000e+00> : vector<64x1xf32>
    %dot_general3A_36 = tpu.matmul %div3A_31, %get3A_34, %dot_general3A_35 {dimension_numbers = #tpu.dot_dimension_numbers<[0], [0], [1], [1], [0, 1, 1, 1], [], []>, transpose_lhs_hint = false} : vector<128x64xf32>, vector<128x1xf32>, vector<64x1xf32> -> vector<64x1xf32>
    %get3A_37 = arith.constant 0 : index
    %get3A_38 = arith.constant 0 : index
    %get3A_39 = vector.load %arg6[%get3A_37, %get3A_38] : memref<1x1xf32, #tpu.memory_space<vmem>>, vector<1x1xf32>
    %add3A_40 = vector.broadcast %get3A_39 : vector<1x1xf32> to vector<64x1xf32>
    %add3A_41 = arith.addf %dot_general3A_36, %add3A_40 : vector<64x1xf32>
    %swap3A = arith.constant 0 : index
    %swap3A_42 = arith.constant 0 : index
    %swap3A_43 = vector.load %arg7[%swap3A, %swap3A_42] : memref<64x1xf32, #tpu.memory_space<vmem>>, vector<64x1xf32>
    tpu.vector_store %arg7[%swap3A, %swap3A_42], %add3A_41 {strides = array<i32>} : memref<64x1xf32, #tpu.memory_space<vmem>>, vector<64x1xf32>,
    return
  }
}

</mosaic_0001>

<sc_bundles>
// kernel: kernel.10.cloned.1.call-start
scs
__scs_entry_jumppad:
0x0: {  	(pc) =	sbr.rel $0x88, $3  }
0x1: {  	(tag) =	ssettag $0x0;
	lr =	simm.s32 $0x1  }
0x2: {  	[smem:$0x3F98] =	sst lr;
	_ =	strace $0xD0000000  }
0x3: {  	_ = 	snop  }
0x4: {  	_ = 	snop  }
0x5: {  	_ = 	snop  }
0x6: {  	_ = 	snop  }
0x7: {  	_ = 	snop  }
__scs_overlays_trampoline_lowered:
0x8: {  	[smem:$0x3FA7] =	sst s0  }
0x9: {  	[smem:$0x3FA8] =	sst s1  }
0xa: {  	[smem:$0x3FA9] =	sst s2  }
0xb: {  	[smem:$0x3FAA] =	sst s3  }
0xc: {  	[smem:$0x3FAB] =	sst s4  }
0xd: {  	[smem:$0x3FAC] =	sst s5  }
0xe: {  	[smem:$0x3FAD] =	sst s6  }
0xf: {  	[smem:$0x3FAE] =	sst s7  }
0x10: {  	[smem:$0x3FAF] =	sst s8  }
0x11: {  	[smem:$0x3FB0] =	sst s9;
	s0 =	simm.s32 @!p0 $0x0  }
0x12: {  	s1 =	sld [smem:$0x3F96];
	s0 =	simm.s32 @p0 $0x1  }
0x13: {  	[smem:$0x3FB1] =	sst s0;
	s0 =	simm.s32 @!p1 $0x0  }
0x14: {  	s2 =	sld [smem:$0x3F95];
	s0 =	simm.s32 @p1 $0x1  }
0x15: {  	[smem:$0x3FB2] =	sst s0;
	s0 =	simm.s32 @!p2 $0x0  }
0x16: {  	s3 =	sld [smem:$0x3FDB];
	s0 =	simm.s32 @p2 $0x1  }
0x17: {  	s4 =	simm.s32 $0x1BF5;
	[smem:$0x3FB4] =	sst s0  }
0x18: {  	s0 =	sld [smem:$0x3F97];
	_ =	swait.ge [sflag:s4], $0x0  }
0x19: {  	s7 =	sld [smem:$0x3F98]  }
0x1a: {  	s8 =	sadd.s32 $0xFFFFE003, lr  }
0x1b: {  	s9 =	sadd.s32 $0xFFFFFEF7, lr;
	s5 =	simm.s32 $0xFFFFFFFF;
	p2 =	slt.u32 s8, $0xFFFFF086  }
0x1c: {  	p1 =	slt.u32 s9, $0xF7A;
	s5 =	simm.s32 @!p2 $0x0  }
0x1d: {  	s5 =	simm.s32 @p1 $0x1;
	p0 =	seq.s32 s7, s2  }
0x1e: {  	s7 =	smul.u32 @!p0 $0xF7A, s2;
	p2 =	seq.s32 @!p0 s5, $0x0  }
0x1f: {  	s9 =	smul.u32 $0xF7A, s1;
	s8 =	simm.s32 @!p0 $0x1BF5;
	p2 =	por !p2, p0  }
0x20: {  	[sflag:s8] =	ssyncset.s32 @!p0 $0xFFFFF086;
	s6 =	sadd.s32 @!p0 s3, s7;
	s7 =	simm.s32 @!p0 $0x108  }
0x21: {  	s3 =	sadd.s32 s3, s9;
	s6 =	sadd.s32 @!p0 $0x88, s6;
	s7 =	simm.s32 @p2 $0x1082  }
0x22: {  	[simem:s7], [sflag:s8] =	dma.local @!p0 [hbm:s6], $0xF7A  }
0x23: {  	s9 =	sor.u32 $0xD0000000, s2;
	s6 =	simm.s32 $0x108;
	_ =	swait.ge @!p0 [sflag:s8], $0x0  }
0x24: {  	s3 =	sadd.s32 $0x88, s3;
	s6 =	simm.s32 @!p1 $0x1082;
	[sflag:s4] =	ssyncset.s32 $0xFFFFF086  }
0x25: {  	[simem:s6], [sflag:s4] =	dma.local [hbm:s3], $0xF7A  }
0x26: {  	[smem:$0x3F98] =	sst s1;
	(tag) =	ssettag s2;
	_ =	strace s9  }
0x27: {  	s1 =	sld [smem:$0x3FA8]  }
0x28: {  	s2 =	sld [smem:$0x3FA9]  }
0x29: {  	s4 =	sld [smem:$0x3FAB]  }
0x2a: {  	p0 =	seq.s32 s5, $0x0;
	s5 =	sld [smem:$0x3FAC]  }
0x2b: {  	s6 =	sld [smem:$0x3FAD]  }
0x2c: {  	s7 =	sld [smem:$0x3FAE]  }
0x2d: {  	s3 =	simm.s32 $0x108;
	s8 =	sld [smem:$0x3FAF]  }
0x2e: {  	s3 =	simm.s32 @!p0 $0x1082;
	s9 =	sld [smem:$0x3FB0]  }
0x2f: {  	lr =	sadd.s32 s0, s3;
	s0 =	sld [smem:$0x3FA7]  }
0x30: {  	s3 =	sld [smem:$0x3FAA]  }
0x31: {  	[smem:$0x3FB3] =	sst s10  }
0x32: {  	s10 =	sld [smem:$0x3FB1];
	_ =	sdelay $0x3  }
0x33: {  	p0 =	seq.s32 s10, $0x1;
	s10 =	sld [smem:$0x3FB3];
	_ =	sdelay $0x3  }
0x34: {  	[smem:$0x3FB3] =	sst s10  }
0x35: {  	s10 =	sld [smem:$0x3FB2];
	_ =	sdelay $0x3  }
0x36: {  	p1 =	seq.s32 s10, $0x1;
	s10 =	sld [smem:$0x3FB3];
	_ =	sdelay $0x3  }
0x37: {  	[smem:$0x3FB3] =	sst s10  }
0x38: {  	s10 =	sld [smem:$0x3FB4]  }
0x39: {  	_ = 	snop;
	(pc) =	sbr.ind lr, $3  }
0x3a: {  	_ = 	snop  }
0x3b: {  	_ = 	snop  }
0x3c: {  	p2 =	seq.s32 s10, $0x1;
	s10 =	sld [smem:$0x3FB3]  }
0x3d: {  	_ =	shalt  }
0x3e: {  	_ =	shalt  }
0x3f: {  	_ =	shalt  }
0x40: {  	_ =	shalt  }
0x41: {  	_ =	shalt  }
0x42: {  	_ =	shalt  }
0x43: {  	_ =	shalt  }
0x44: {  	_ =	shalt  }
0x45: {  	_ =	shalt  }
0x46: {  	_ =	shalt  }
0x47: {  	_ =	shalt  }
0x48: {  	_ =	shalt  }
0x49: {  	_ =	shalt  }
0x4a: {  	_ =	shalt  }
0x4b: {  	_ =	shalt  }
0x4c: {  	_ =	shalt  }
0x4d: {  	_ =	shalt  }
0x4e: {  	_ =	shalt  }
0x4f: {  	_ =	shalt  }
0x50: {  	_ =	shalt  }
0x51: {  	_ =	shalt  }
0x52: {  	_ =	shalt  }
0x53: {  	_ =	shalt  }
0x54: {  	_ =	shalt  }
0x55: {  	_ =	shalt  }
0x56: {  	_ =	shalt  }
0x57: {  	_ =	shalt  }
0x58: {  	_ =	shalt  }
0x59: {  	_ =	shalt  }
0x5a: {  	_ =	shalt  }
0x5b: {  	_ =	shalt  }
0x5c: {  	_ =	shalt  }
0x5d: {  	_ =	shalt  }
0x5e: {  	_ =	shalt  }
0x5f: {  	_ =	shalt  }
0x60: {  	_ =	shalt  }
0x61: {  	_ =	shalt  }
0x62: {  	_ =	shalt  }
0x63: {  	_ =	shalt  }
0x64: {  	_ =	shalt  }
0x65: {  	_ =	shalt  }
0x66: {  	_ =	shalt  }
0x67: {  	_ =	shalt  }
0x68: {  	_ =	shalt  }
0x69: {  	_ =	shalt  }
0x6a: {  	_ =	shalt  }
0x6b: {  	_ =	shalt  }
0x6c: {  	_ =	shalt  }
0x6d: {  	_ =	shalt  }
0x6e: {  	_ =	shalt  }
0x6f: {  	_ =	shalt  }
0x70: {  	_ =	shalt  }
0x71: {  	_ =	shalt  }
0x72: {  	_ =	shalt  }
0x73: {  	_ =	shalt  }
0x74: {  	_ =	shalt  }
0x75: {  	_ =	shalt  }
0x76: {  	_ =	shalt  }
0x77: {  	_ =	shalt  }
0x78: {  	_ =	shalt  }
0x79: {  	_ =	shalt  }
0x7a: {  	_ =	shalt  }
0x7b: {  	_ =	shalt  }
0x7c: {  	_ =	shalt  }
0x7d: {  	_ =	shalt  }
0x7e: {  	_ =	shalt  }
0x7f: {  	_ =	shalt  }
0x80: {  	_ =	shalt  }
0x81: {  	_ =	shalt  }
0x82: {  	_ =	shalt  }
0x83: {  	_ =	shalt  }
0x84: {  	_ =	shalt  }
0x85: {  	_ =	shalt  }
0x86: {  	_ =	shalt  }
0x87: {  	_ =	shalt  }
.Lfunc_end0:
.L_simem_size_0:
called_computation.1_lowered:
.L_overlay_start_0:
0x88: {  	s2 =	sld [smem:$0x3FD9]  }
0x89: {  	s3 =	sld [smem:$0x3FFE];
	_ =	sdelay $0x1  }
0x8a: {  	s1 =	srdreg.scid  }
0x8b: {  	s0 =	sand.u32 $0x1, s1  }
0x8c: {  	s16 =	sshll.u32 s0, $0xA;
	s2 =	sadd.s32 s3, s2  }
0x8d: {  	s2 =	sadd.s32 s2, s16  }
0x8e: {  	[smem:$0x3FBF] =	sst s2  }
0x8f: {  	_ = 	snop  }
0x90: {  	(tm) =	ssettm $0x1  }
0x91: {  	s17 =	sld [smem:$0x3FFB];
	_ =	sdelay $0x3  }
0x92: {  	_ =	strace s17  }
0x93: {  	s2 =	sld [smem:$0x3FFC];
	_ =	sdelay $0x3  }
0x94: {  	_ =	strace s2  }
0x95: {  	s2 =	sld [smem:$0x3FFD];
	_ =	sdelay $0x3  }
0x96: {  	_ =	strace s2  }
0x97: {  	_ =	strace $0x8FFFFFFF  }
0x98: {  	s18 =	sld [smem:$0x3FDB];
	_ =	sdelay $0x1  }
0x99: {  	s19 =	simm.s32 $_scs_section_size  }
0x9a: {  	s4 =	simm.s32 $_size__tile_overlayer_lowered;
	s5 =	simm.s32 $_tile_overlayer_lowered  }
0x9b: {  	s22 =	simm.s32 $0x1BFF;
	s21 =	sshll.u32 s5, $0x1;
	s2 =	sadd.s32 s19, s18  }
0x9c: {  	s6 =	simm.s32 $0x0;
	s20 =	sshll.u32 s4, $0x1;
	s4 =	sadd.s32 s21, s2  }
0x9d: {  	[timem:s6], [sflag:s22] =	dma.local [hbm:s4], s20  }
0x9e: {  	_ =	swait.ge [sflag:s22], s20  }
0x9f: {  	s3 =	ssub.s32 $0x0, s20;
	[sflag:s22] =	ssyncset.done $0x0  }
0xa0: {  	[sflag:s22] =	ssyncadd.s32 s3;
	_ =	sdelay $0x1  }
0xa1: {  	s23 =	simm.s32 $0x1B8B  }
0xa2: {  	_ =	swait.ge [sflag:s23], $0x1  }
0xa3: {  	[sflag:s23] =	ssyncset.done $0x0  }
0xa4: {  	s25 =	simm.s32 $0x1B8E;
	s24 =	sld [smem:$0x3FFE];
	[sflag:s23] =	ssyncadd.s32 $0xFFFFFFFF  }
0xa5: {  	s26 =	simm.s32 $execute0_lowered;
	[smem:$0x3FD2] =	sst s25  }
0xa6: {  	s4 =	sshll.u32 s26, $0x1;
	_ =	strace $0x80000049;
	[dreg:$0x1] =	wrdreg $0xFFFFFFFF  }
0xa7: {  	s28 =	simm.s32 $_size_execute0_lowered;
	s2 =	sadd.s32 s2, s4;
	[dreg:$0x0] =	wrdreg $0x0  }
0xa8: {  	s4 =	sshll.u32 s28, $0x1;
	[dreg:$0x2] =	wrdreg s2  }
0xa9: {  	[dreg:$0x3] =	wrdreg s4  }
0xaa: {  	[dreg:$0x4] =	wrdreg $0xC0  }
0xab: {  	_ =	task [dreg:s6], $0x5FFFF  }
0xac: {  	[dreg:$0x1] =	wrdreg $0xFFFFFFFF  }
0xad: {  	[dreg:$0x0] =	wrdreg $0x60  }
0xae: {  	[dreg:$0x2] =	wrdreg s24  }
0xaf: {  	[dreg:$0x3] =	wrdreg $0x9  }
0xb0: {  	_ =	task.clear_ibuf [dreg:s6], $0x4FFFF;
	_ =	strace $0x90000049  }
0xb1: {  	s29 =	simm.s32 $0x9;
	_ =	strace $0x8000004B  }
0xb2: {  	_ =	swait.ge [sflag:s29], $0x1  }
0xb3: {  	[sflag:s29] =	ssyncadd.s32 $0xFFFFFFFF  }
0xb4: {  	_ =	strace $0x9000004B  }
0xb5: {  	_ =	sfence  }
0xb6: {  	s30 =	sld [smem:$0x0];
	_ =	sdelay $0x2  }
0xb7: {  	s31 =	sshll.u32 s1, $0xD;
	s1 =	sshrl.u32 s1, $0x2  }
0xb8: {  	s3 =	sand.u32 $0x4000, s31;
	s1 =	sadd.s32 s1, s30  }
0xb9: {  	s0 =	sor.u32 s3, s0;
	s1 =	sshll.u32 s1, $0x11  }
0xba: {  	s0 =	sor.u32 s1, s0  }
0xbb: {  	s0 =	sadd.s32 $0x8F2B, s0  }
0xbc: {  	[sflag:s0] =	ssyncadd.remote.s32 $0x1  }
0xbd: {  	_ =	sfence.sel $0xFFFF  }
0xbe: {  	[dreg:$0x0] =	wrdreg $0xFFFFFFFF;
	(pc) =	sbr.abs _section_cstart, $3  }
0xbf: {  	[dreg:$0x1] =	wrdreg $0xFFFFFFFF  }
0xc0: {  	_ =	task.clear_ibuf [dreg:s6], $0x2FFFF;
	_ =	strace $0x9FFFFFFF  }
0xc1: {  	(tm) =	ssettm $0x7FFFFFFF  }
tec
execute0_lowered:
.L_overlay_start_1:
0x0: {  	(tag) =	ssettag $0x1  }
0x1: {  	s0 =	rddreg [dreg:$0x0]  }
0x2: {  	s1 =	srdreg.scid;
	s5 =	stileid.u32  }
0x3: {  	s2 =	simm.s32 $0x0;
	s17 =	simm.s32 $0x80;
	s18 =	simm.s32 $0x400  }
0x4: {  	s19 =	simm.s32 $0x5;
	s20 =	simm.s32 $0xA000;
	s30 =	simm.s32 $0x14800  }
0x5: {  	s31 =	simm.s32 $0x15800;
	s28 =	simm.s32 $0x2;
	s29 =	simm.s32 $0x4  }
0x6: {  	s1 =	sand.u32 $0x1, s1;
	s4 =	sshll.u32 s5, $0x2;
	[smem:$0x7FF] =	sst s2  }
0x7: {  	s6 =	sadd.s32 $0x29E00, s0;
	s5 =	sshll.u32 s5, $0x9;
	s21 =	sadd.s32 $0x51E00, s0  }
0x8: {  	s25 =	sadd.s32 $0x20100, s0;
	s3 =	sshll.u32 s1, $0x6;
	_ =	strace $0x8000004A  }
0x9: {  	s1 =	ssub.s32 $0x2, s1;
	s8 =	sand.u32 $0x200, s5;
	s3 =	sor.u32 s4, s3  }
0xa: {  	s5 =	sadd.s32 $0x15A00, s0;
	[dreg:$0x6] =	wrdreg s25;
	s4 =	sshrl.u32 s3, $0x3  }
0xb: {  	s25 =	simm.s32 $0x7800;
	s9 =	sshrl.u32 s1, $0x1;
	s7 =	smul.u32 $0x14000, s4  }
0xc: {  	s3 =	sadd.s32 $0x20000, s0;
	s1 =	ssub.s32 s1, s9;
	s4 =	sadd.s32 $0x1C00, s0  }
0xd: {  	s0 =	sadd.s32 $0x1D00, s0;
	s16 =	smax.u32 s1, $0x1;
	s7 =	sor.u32 s8, s7  }
0xe: {  	s1 =	simm.s32 $0x3;
	[dreg:$0x7] =	wrdreg s0;
	s7 =	sshrl.u32 s7, $0x3  }
0xf: {  	s0 =	simm.s32 $0x1;
	s22 =	sadd.s32 s6, s7;
	s23 =	sor.u32 $0x10, s7  }
0x10: {  	s14 =	sor.u32 $0x20, s7;
	s15 =	sor.u32 $0x30, s7;
	s26 =	sadd.s32 s21, s7  }
0x11: {  	[dreg:$0x2] =	wrdreg s22;
	s10 =	sadd.s32 s6, s23;
	s24 =	sadd.s32 s6, s14  }
.Ltmp0:
0x12: {  	s6 =	sadd.s32 s6, s15;
	[dreg:$0x8] =	wrdreg s26;
	(pc) =	sbr.rel .LBB2_1-.Ltmp0, $4  }
0x13: {  	s13 =	sadd.s32 s21, s23;
	s14 =	sadd.s32 s21, s14;
	s15 =	sadd.s32 s21, s15  }
0x14: {  	s21 =	simm.s32 $0x2800;
	s22 =	simm.s32 $0xC800;
	[dreg:$0x3] =	wrdreg s10  }
0x15: {  	s23 =	simm.s32 $0x5000;
	s26 =	simm.s32 $0x11800;
	[dreg:$0x4] =	wrdreg s24  }
0x16: {  	[dreg:$0x5] =	wrdreg s6;
	s24 =	simm.s32 $0xF000;
	s6 =	simm.s32 $0x0  }
.LBB2_8:
0x17: {  	s7 =	rddreg [dreg:$0x8]  }
0x18: {  	[hbm4b:s7+s17] =	stream.strided.scatter [tilespmem:s20], [sflag:$0x5], $0x2800, s18, s17, $0x38;
	[tilespmem:$0x16000] =	vst v63  }
0x19: {  	_ =	swait.ge [sflag:s19], $0x2800  }
0x1a: {  	[sflag:s19] =	ssyncset.done $0x0  }
0x1b: {  	[sflag:s19] =	ssyncadd.s32 $0xFFFFD800  }
0x1c: {  	[hbm4b:s13+s17] =	stream.strided.scatter [tilespmem:s22], [sflag:$0x5], $0x2800, s18, s17, $0x38;
	[tilespmem:$0x16000] =	vst v63  }
0x1d: {  	_ =	swait.ge [sflag:s19], $0x2800  }
0x1e: {  	[sflag:s19] =	ssyncset.done $0x0  }
0x1f: {  	[sflag:s19] =	ssyncadd.s32 $0xFFFFD800  }
0x20: {  	[hbm4b:s14+s17] =	stream.strided.scatter [tilespmem:s24], [sflag:$0x5], $0x2800, s18, s17, $0x38;
	[tilespmem:$0x16000] =	vst v63  }
0x21: {  	s6 =	sadd.s32 $0x1, s6;
	_ =	swait.ge [sflag:s19], $0x2800  }
0x22: {  	p0 =	sne.s32 s6, s16;
	[sflag:s19] =	ssyncset.done $0x0  }
.Ltmp1:
0x23: {  	[sflag:s19] =	ssyncadd.s32 $0xFFFFD800;
	(pc) =	sbr.rel @!p0 .LBB2_9-.Ltmp1, $4  }
0x24: {  	[hbm4b:s15+s17] =	stream.strided.scatter [tilespmem:s26], [sflag:$0x5], $0x2800, s18, s17, $0x38;
	[tilespmem:$0x16000] =	vst v63  }
0x25: {  	_ =	swait.ge [sflag:s19], $0x2800  }
0x26: {  	[sflag:s19] =	ssyncset.done $0x0  }
0x27: {  	[sflag:s19] =	ssyncadd.s32 $0xFFFFD800  }
.LBB2_1:
0x28: {  	s7 =	rddreg [dreg:$0x2]  }
0x29: {  	[tilespmem:s2], [sflag:$0x5] =	stream.strided.gather [hbm4b:s7+s17], $0x2800, s18, s17, $0x38;
	[tilespmem:$0x16000] =	vst v63  }
0x2a: {  	_ =	swait.ge [sflag:s19], $0x2800  }
0x2b: {  	[sflag:s19] =	ssyncset.done $0x0  }
0x2c: {  	[sflag:s19] =	ssyncadd.s32 $0xFFFFD800  }
0x2d: {  	[tilespmem:s20], [sflag:$0x5] =	stream.linear.gather [hbm4b:s5+s2], $0x2800, $0x38;
	[tilespmem:$0x16000] =	vst v63  }
0x2e: {  	_ =	swait.ge [sflag:s19], $0x2800  }
0x2f: {  	[sflag:s19] =	ssyncset.done $0x0  }
0x30: {  	s11 =	rddreg [dreg:$0x3];
	[sflag:s19] =	ssyncadd.s32 $0xFFFFD800  }
0x31: {  	[tilespmem:s21], [sflag:$0x5] =	stream.strided.gather [hbm4b:s11+s17], $0x2800, s18, s17, $0x38;
	[tilespmem:$0x16000] =	vst v63  }
0x32: {  	_ =	swait.ge [sflag:s19], $0x2800  }
0x33: {  	[sflag:s19] =	ssyncset.done $0x0  }
0x34: {  	[sflag:s19] =	ssyncadd.s32 $0xFFFFD800  }
0x35: {  	[tilespmem:s22], [sflag:$0x5] =	stream.linear.gather [hbm4b:s5+s2], $0x2800, $0x38;
	[tilespmem:$0x16000] =	vst v63  }
0x36: {  	_ =	swait.ge [sflag:s19], $0x2800  }
0x37: {  	[sflag:s19] =	ssyncset.done $0x0  }
0x38: {  	s12 =	rddreg [dreg:$0x4];
	[sflag:s19] =	ssyncadd.s32 $0xFFFFD800  }
0x39: {  	[tilespmem:s23], [sflag:$0x5] =	stream.strided.gather [hbm4b:s12+s17], $0x2800, s18, s17, $0x38;
	[tilespmem:$0x16000] =	vst v63  }
0x3a: {  	_ =	swait.ge [sflag:s19], $0x2800  }
0x3b: {  	[sflag:s19] =	ssyncset.done $0x0  }
0x3c: {  	[sflag:s19] =	ssyncadd.s32 $0xFFFFD800  }
0x3d: {  	[tilespmem:s24], [sflag:$0x5] =	stream.linear.gather [hbm4b:s5+s2], $0x2800, $0x38;
	[tilespmem:$0x16000] =	vst v63  }
0x3e: {  	_ =	swait.ge [sflag:s19], $0x2800  }
0x3f: {  	[sflag:s19] =	ssyncset.done $0x0  }
0x40: {  	s8 =	rddreg [dreg:$0x5];
	[sflag:s19] =	ssyncadd.s32 $0xFFFFD800  }
0x41: {  	[tilespmem:s25], [sflag:$0x5] =	stream.strided.gather [hbm4b:s8+s17], $0x2800, s18, s17, $0x38;
	[tilespmem:$0x16000] =	vst v63  }
0x42: {  	_ =	swait.ge [sflag:s19], $0x2800  }
0x43: {  	[sflag:s19] =	ssyncset.done $0x0  }
0x44: {  	[sflag:s19] =	ssyncadd.s32 $0xFFFFD800  }
0x45: {  	[tilespmem:s26], [sflag:$0x5] =	stream.linear.gather [hbm4b:s5+s2], $0x2800, $0x38;
	[tilespmem:$0x16000] =	vst v63  }
0x46: {  	_ =	swait.ge [sflag:s19], $0x2800  }
0x47: {  	[sflag:s19] =	ssyncset.done $0x0  }
0x48: {  	s9 =	simm.s32 $0x14000;
	[sflag:s19] =	ssyncadd.s32 $0xFFFFD800  }
0x49: {  	[tilespmem:s9], [sflag:$0x1] =	stream.linear.gather [hbm4b:s3+s2], $0x800, $0x38;
	[tilespmem:$0x16000] =	vst v63  }
0x4a: {  	s10 =	simm.s32 $0x15000  }
0x4b: {  	[tilespmem:s10], [sflag:$0x3] =	stream.linear.gather [hbm4b:s4+s2], $0x800, $0x38;
	[tilespmem:$0x16000] =	vst v63  }
0x4c: {  	s11 =	rddreg [dreg:$0x6]  }
0x4d: {  	[tilespmem:s30], [sflag:$0x2] =	stream.linear.gather [hbm4b:s11+s2], $0x800, $0x38;
	[tilespmem:$0x16000] =	vst v63  }
0x4e: {  	s7 =	simm.s32 $0x0;
	s12 =	rddreg [dreg:$0x7]  }
0x4f: {  	[tilespmem:s31], [sflag:$0x4] =	stream.linear.gather [hbm4b:s12+s2], $0x800, $0x38;
	[tilespmem:$0x16000] =	vst v63  }
.LBB2_2:
0x50: {  	_ =	swait.ge [sflag:s0], $0x800  }
0x51: {  	[sflag:s0] =	ssyncset.done $0x0  }
0x52: {  	[sflag:s0] =	ssyncadd.s32 $0xFFFFF800  }
0x53: {  	_ =	swait.ge [sflag:s1], $0x800  }
0x54: {  	[sflag:s1] =	ssyncset.done $0x0  }
0x55: {  	s8 =	simm.s32 $0x0;
	[sflag:s1] =	ssyncadd.s32 $0xFFFFF800  }
.LBB2_3:
0x56: {  	s9 =	sshra.s32 s8, $0x2  }
0x57: {  	v0 =	vld [tilespmem:s9+$0x14000]  }
0x58: {  	v1 =	vld [tilespmem:s9+$0x15000]  }
0x59: {  	v2 =	vld [tilespmem:s9+$0x14010]  }
0x5a: {  	v3 =	vld [tilespmem:s9+$0x15010]  }
0x5b: {  	v4 =	vld [tilespmem:s9+$0x14020]  }
0x5c: {  	v5 =	vld [tilespmem:s9+$0x15020]  }
0x5d: {  	v6 =	vld [tilespmem:s9+$0x14030]  }
0x5e: {  	v7 =	vld [tilespmem:s9+$0x15030]  }
0x5f: {  	v8 =	vld [tilespmem:s9+$0x14040]  }
0x60: {  	v9 =	vld [tilespmem:s9+$0x15040]  }
0x61: {  	v10 =	vld [tilespmem:s9+$0x14050]  }
0x62: {  	v11 =	vld [tilespmem:s9+$0x15050]  }
0x63: {  	v12 =	vld [tilespmem:s9+$0x14060]  }
0x64: {  	v13 =	vld [tilespmem:s9+$0x15060]  }
0x65: {  	v14 =	vld [tilespmem:s9+$0x14070]  }
0x66: {  	v15 =	vld [tilespmem:s9+$0x15070]  }
0x67: {  	v16 =	vld [tilespmem:s9+$0x14080]  }
0x68: {  	v17 =	vld [tilespmem:s9+$0x15080]  }
0x69: {  	v18 =	vld [tilespmem:s9+$0x14090]  }
0x6a: {  	v19 =	vld [tilespmem:s9+$0x15090]  }
0x6b: {  	v20 =	vld [tilespmem:s9+$0x140A0]  }
0x6c: {  	v21 =	vld [tilespmem:s9+$0x150A0]  }
0x6d: {  	v22 =	vld [tilespmem:s9+$0x140B0]  }
0x6e: {  	v23 =	vld [tilespmem:s9+$0x150B0]  }
0x6f: {  	v24 =	vld [tilespmem:s9+$0x140C0]  }
0x70: {  	v25 =	vld [tilespmem:s9+$0x150C0]  }
0x71: {  	v26 =	vld [tilespmem:s9+$0x140D0]  }
0x72: {  	v27 =	vld [tilespmem:s9+$0x150D0]  }
0x73: {  	v28 =	vld [tilespmem:s9+$0x140E0]  }
0x74: {  	v29 =	vld [tilespmem:s9+$0x150E0]  }
0x75: {  	v30 =	vld [tilespmem:s9+$0x140F0]  }
0x76: {  	v31 =	vld.idx.msk [tilespmem:v0+s2+$0x0], $0xffff  }
0x77: {  	v32 =	vld.idx.msk [tilespmem:v0+s21+$0x0], $0xffff  }
0x78: {  	v33 =	vld.idx.msk [tilespmem:v0+s23+$0x0], $0xffff  }
0x79: {  	v0 =	vld.idx.msk [tilespmem:v0+s25+$0x0], $0xffff  }
0x7a: {  	v34 =	vld [tilespmem:s9+$0x150F0]  }
0x7b: {  	[tilespmem:v1+s20+$0x0] =	vst.idx.add.f32.msk $0xffff, v31  }
0x7c: {  	[tilespmem:v1+s22+$0x0] =	vst.idx.add.f32.msk $0xffff, v32  }
0x7d: {  	[tilespmem:v1+s24+$0x0] =	vst.idx.add.f32.msk $0xffff, v33  }
0x7e: {  	[tilespmem:v1+s26+$0x0] =	vst.idx.add.f32.msk $0xffff, v0  }
0x7f: {  	v0 =	vld.idx.msk [tilespmem:v2+s2+$0x0], $0xffff  }
0x80: {  	v1 =	vld.idx.msk [tilespmem:v2+s21+$0x0], $0xffff  }
0x81: {  	v31 =	vld.idx.msk [tilespmem:v2+s23+$0x0], $0xffff  }
0x82: {  	v2 =	vld.idx.msk [tilespmem:v2+s25+$0x0], $0xffff;
	_ =	sdelay $0x1  }
0x83: {  	[tilespmem:v3+s20+$0x0] =	vst.idx.add.f32.msk $0xffff, v0  }
0x84: {  	[tilespmem:v3+s22+$0x0] =	vst.idx.add.f32.msk $0xffff, v1  }
0x85: {  	[tilespmem:v3+s24+$0x0] =	vst.idx.add.f32.msk $0xffff, v31  }
0x86: {  	[tilespmem:v3+s26+$0x0] =	vst.idx.add.f32.msk $0xffff, v2  }
0x87: {  	v0 =	vld.idx.msk [tilespmem:v4+s2+$0x0], $0xffff  }
0x88: {  	v1 =	vld.idx.msk [tilespmem:v4+s21+$0x0], $0xffff  }
0x89: {  	v2 =	vld.idx.msk [tilespmem:v4+s23+$0x0], $0xffff  }
0x8a: {  	v3 =	vld.idx.msk [tilespmem:v4+s25+$0x0], $0xffff;
	_ =	sdelay $0x1  }
0x8b: {  	[tilespmem:v5+s20+$0x0] =	vst.idx.add.f32.msk $0xffff, v0  }
0x8c: {  	[tilespmem:v5+s22+$0x0] =	vst.idx.add.f32.msk $0xffff, v1  }
0x8d: {  	[tilespmem:v5+s24+$0x0] =	vst.idx.add.f32.msk $0xffff, v2  }
0x8e: {  	[tilespmem:v5+s26+$0x0] =	vst.idx.add.f32.msk $0xffff, v3  }
0x8f: {  	v0 =	vld.idx.msk [tilespmem:v6+s2+$0x0], $0xffff  }
0x90: {  	v1 =	vld.idx.msk [tilespmem:v6+s21+$0x0], $0xffff  }
0x91: {  	v2 =	vld.idx.msk [tilespmem:v6+s23+$0x0], $0xffff  }
0x92: {  	v3 =	vld.idx.msk [tilespmem:v6+s25+$0x0], $0xffff;
	_ =	sdelay $0x1  }
0x93: {  	[tilespmem:v7+s20+$0x0] =	vst.idx.add.f32.msk $0xffff, v0  }
0x94: {  	[tilespmem:v7+s22+$0x0] =	vst.idx.add.f32.msk $0xffff, v1  }
0x95: {  	[tilespmem:v7+s24+$0x0] =	vst.idx.add.f32.msk $0xffff, v2  }
0x96: {  	[tilespmem:v7+s26+$0x0] =	vst.idx.add.f32.msk $0xffff, v3  }
0x97: {  	v0 =	vld.idx.msk [tilespmem:v8+s2+$0x0], $0xffff  }
0x98: {  	v1 =	vld.idx.msk [tilespmem:v8+s21+$0x0], $0xffff  }
0x99: {  	v2 =	vld.idx.msk [tilespmem:v8+s23+$0x0], $0xffff  }
0x9a: {  	v3 =	vld.idx.msk [tilespmem:v8+s25+$0x0], $0xffff;
	_ =	sdelay $0x1  }
0x9b: {  	[tilespmem:v9+s20+$0x0] =	vst.idx.add.f32.msk $0xffff, v0  }
0x9c: {  	[tilespmem:v9+s22+$0x0] =	vst.idx.add.f32.msk $0xffff, v1  }
0x9d: {  	[tilespmem:v9+s24+$0x0] =	vst.idx.add.f32.msk $0xffff, v2  }
0x9e: {  	[tilespmem:v9+s26+$0x0] =	vst.idx.add.f32.msk $0xffff, v3  }
0x9f: {  	v0 =	vld.idx.msk [tilespmem:v10+s2+$0x0], $0xffff  }
0xa0: {  	v1 =	vld.idx.msk [tilespmem:v10+s21+$0x0], $0xffff  }
0xa1: {  	v2 =	vld.idx.msk [tilespmem:v10+s23+$0x0], $0xffff  }
0xa2: {  	v3 =	vld.idx.msk [tilespmem:v10+s25+$0x0], $0xffff;
	_ =	sdelay $0x1  }
0xa3: {  	[tilespmem:v11+s20+$0x0] =	vst.idx.add.f32.msk $0xffff, v0  }
0xa4: {  	[tilespmem:v11+s22+$0x0] =	vst.idx.add.f32.msk $0xffff, v1  }
0xa5: {  	[tilespmem:v11+s24+$0x0] =	vst.idx.add.f32.msk $0xffff, v2  }
0xa6: {  	[tilespmem:v11+s26+$0x0] =	vst.idx.add.f32.msk $0xffff, v3  }
0xa7: {  	v0 =	vld.idx.msk [tilespmem:v12+s2+$0x0], $0xffff  }
0xa8: {  	v1 =	vld.idx.msk [tilespmem:v12+s21+$0x0], $0xffff  }
0xa9: {  	v2 =	vld.idx.msk [tilespmem:v12+s23+$0x0], $0xffff  }
0xaa: {  	v3 =	vld.idx.msk [tilespmem:v12+s25+$0x0], $0xffff;
	_ =	sdelay $0x1  }
0xab: {  	[tilespmem:v13+s20+$0x0] =	vst.idx.add.f32.msk $0xffff, v0  }
0xac: {  	[tilespmem:v13+s22+$0x0] =	vst.idx.add.f32.msk $0xffff, v1  }
0xad: {  	[tilespmem:v13+s24+$0x0] =	vst.idx.add.f32.msk $0xffff, v2  }
0xae: {  	[tilespmem:v13+s26+$0x0] =	vst.idx.add.f32.msk $0xffff, v3  }
0xaf: {  	v0 =	vld.idx.msk [tilespmem:v14+s2+$0x0], $0xffff  }
0xb0: {  	v1 =	vld.idx.msk [tilespmem:v14+s21+$0x0], $0xffff  }
0xb1: {  	v2 =	vld.idx.msk [tilespmem:v14+s23+$0x0], $0xffff  }
0xb2: {  	v3 =	vld.idx.msk [tilespmem:v14+s25+$0x0], $0xffff;
	_ =	sdelay $0x1  }
0xb3: {  	[tilespmem:v15+s20+$0x0] =	vst.idx.add.f32.msk $0xffff, v0  }
0xb4: {  	[tilespmem:v15+s22+$0x0] =	vst.idx.add.f32.msk $0xffff, v1  }
0xb5: {  	[tilespmem:v15+s24+$0x0] =	vst.idx.add.f32.msk $0xffff, v2  }
0xb6: {  	[tilespmem:v15+s26+$0x0] =	vst.idx.add.f32.msk $0xffff, v3  }
0xb7: {  	v0 =	vld.idx.msk [tilespmem:v16+s2+$0x0], $0xffff  }
0xb8: {  	v1 =	vld.idx.msk [tilespmem:v16+s21+$0x0], $0xffff  }
0xb9: {  	v2 =	vld.idx.msk [tilespmem:v16+s23+$0x0], $0xffff  }
0xba: {  	v3 =	vld.idx.msk [tilespmem:v16+s25+$0x0], $0xffff;
	_ =	sdelay $0x1  }
0xbb: {  	[tilespmem:v17+s20+$0x0] =	vst.idx.add.f32.msk $0xffff, v0  }
0xbc: {  	[tilespmem:v17+s22+$0x0] =	vst.idx.add.f32.msk $0xffff, v1  }
0xbd: {  	[tilespmem:v17+s24+$0x0] =	vst.idx.add.f32.msk $0xffff, v2  }
0xbe: {  	[tilespmem:v17+s26+$0x0] =	vst.idx.add.f32.msk $0xffff, v3  }
0xbf: {  	v0 =	vld.idx.msk [tilespmem:v18+s2+$0x0], $0xffff  }
0xc0: {  	v1 =	vld.idx.msk [tilespmem:v18+s21+$0x0], $0xffff  }
0xc1: {  	v2 =	vld.idx.msk [tilespmem:v18+s23+$0x0], $0xffff  }
0xc2: {  	v3 =	vld.idx.msk [tilespmem:v18+s25+$0x0], $0xffff;
	_ =	sdelay $0x1  }
0xc3: {  	[tilespmem:v19+s20+$0x0] =	vst.idx.add.f32.msk $0xffff, v0  }
0xc4: {  	[tilespmem:v19+s22+$0x0] =	vst.idx.add.f32.msk $0xffff, v1  }
0xc5: {  	[tilespmem:v19+s24+$0x0] =	vst.idx.add.f32.msk $0xffff, v2  }
0xc6: {  	[tilespmem:v19+s26+$0x0] =	vst.idx.add.f32.msk $0xffff, v3  }
0xc7: {  	v0 =	vld.idx.msk [tilespmem:v20+s2+$0x0], $0xffff  }
0xc8: {  	v1 =	vld.idx.msk [tilespmem:v20+s21+$0x0], $0xffff  }
0xc9: {  	v2 =	vld.idx.msk [tilespmem:v20+s23+$0x0], $0xffff  }
0xca: {  	v3 =	vld.idx.msk [tilespmem:v20+s25+$0x0], $0xffff;
	_ =	sdelay $0x1  }
0xcb: {  	[tilespmem:v21+s20+$0x0] =	vst.idx.add.f32.msk $0xffff, v0  }
0xcc: {  	[tilespmem:v21+s22+$0x0] =	vst.idx.add.f32.msk $0xffff, v1  }
0xcd: {  	[tilespmem:v21+s24+$0x0] =	vst.idx.add.f32.msk $0xffff, v2  }
0xce: {  	[tilespmem:v21+s26+$0x0] =	vst.idx.add.f32.msk $0xffff, v3  }
0xcf: {  	v0 =	vld.idx.msk [tilespmem:v22+s2+$0x0], $0xffff  }
0xd0: {  	v1 =	vld.idx.msk [tilespmem:v22+s21+$0x0], $0xffff  }
0xd1: {  	v2 =	vld.idx.msk [tilespmem:v22+s23+$0x0], $0xffff  }
0xd2: {  	v3 =	vld.idx.msk [tilespmem:v22+s25+$0x0], $0xffff;
	_ =	sdelay $0x1  }
0xd3: {  	[tilespmem:v23+s20+$0x0] =	vst.idx.add.f32.msk $0xffff, v0  }
0xd4: {  	[tilespmem:v23+s22+$0x0] =	vst.idx.add.f32.msk $0xffff, v1  }
0xd5: {  	[tilespmem:v23+s24+$0x0] =	vst.idx.add.f32.msk $0xffff, v2  }
0xd6: {  	[tilespmem:v23+s26+$0x0] =	vst.idx.add.f32.msk $0xffff, v3  }
0xd7: {  	v0 =	vld.idx.msk [tilespmem:v24+s2+$0x0], $0xffff  }
0xd8: {  	v1 =	vld.idx.msk [tilespmem:v24+s21+$0x0], $0xffff  }
0xd9: {  	v2 =	vld.idx.msk [tilespmem:v24+s23+$0x0], $0xffff  }
0xda: {  	v3 =	vld.idx.msk [tilespmem:v24+s25+$0x0], $0xffff;
	_ =	sdelay $0x1  }
0xdb: {  	[tilespmem:v25+s20+$0x0] =	vst.idx.add.f32.msk $0xffff, v0  }
0xdc: {  	[tilespmem:v25+s22+$0x0] =	vst.idx.add.f32.msk $0xffff, v1  }
0xdd: {  	[tilespmem:v25+s24+$0x0] =	vst.idx.add.f32.msk $0xffff, v2  }
0xde: {  	[tilespmem:v25+s26+$0x0] =	vst.idx.add.f32.msk $0xffff, v3  }
0xdf: {  	v0 =	vld.idx.msk [tilespmem:v26+s2+$0x0], $0xffff  }
0xe0: {  	v1 =	vld.idx.msk [tilespmem:v26+s21+$0x0], $0xffff  }
0xe1: {  	v2 =	vld.idx.msk [tilespmem:v26+s23+$0x0], $0xffff  }
0xe2: {  	v3 =	vld.idx.msk [tilespmem:v26+s25+$0x0], $0xffff;
	_ =	sdelay $0x1  }
0xe3: {  	[tilespmem:v27+s20+$0x0] =	vst.idx.add.f32.msk $0xffff, v0  }
0xe4: {  	[tilespmem:v27+s22+$0x0] =	vst.idx.add.f32.msk $0xffff, v1  }
0xe5: {  	[tilespmem:v27+s24+$0x0] =	vst.idx.add.f32.msk $0xffff, v2  }
0xe6: {  	[tilespmem:v27+s26+$0x0] =	vst.idx.add.f32.msk $0xffff, v3  }
0xe7: {  	v0 =	vld.idx.msk [tilespmem:v28+s2+$0x0], $0xffff  }
0xe8: {  	v1 =	vld.idx.msk [tilespmem:v28+s21+$0x0], $0xffff  }
0xe9: {  	v2 =	vld.idx.msk [tilespmem:v28+s23+$0x0], $0xffff  }
0xea: {  	v3 =	vld.idx.msk [tilespmem:v28+s25+$0x0], $0xffff;
	_ =	sdelay $0x1  }
0xeb: {  	[tilespmem:v29+s20+$0x0] =	vst.idx.add.f32.msk $0xffff, v0  }
0xec: {  	[tilespmem:v29+s22+$0x0] =	vst.idx.add.f32.msk $0xffff, v1  }
0xed: {  	[tilespmem:v29+s24+$0x0] =	vst.idx.add.f32.msk $0xffff, v2  }
0xee: {  	[tilespmem:v29+s26+$0x0] =	vst.idx.add.f32.msk $0xffff, v3  }
0xef: {  	v0 =	vld.idx.msk [tilespmem:v30+s2+$0x0], $0xffff  }
0xf0: {  	v1 =	vld.idx.msk [tilespmem:v30+s21+$0x0], $0xffff  }
0xf1: {  	v2 =	vld.idx.msk [tilespmem:v30+s23+$0x0], $0xffff  }
0xf2: {  	p0 =	sne.s32 s8, $0x1C00;
	v3 =	vld.idx.msk [tilespmem:v30+s25+$0x0], $0xffff  }
.Ltmp2:
0xf3: {  	_ = 	snop;
	(pc) =	sbr.rel @p0 .LBB2_3-.Ltmp2, $4  }
0xf4: {  	[tilespmem:v34+s20+$0x0] =	vst.idx.add.f32.msk $0xffff, v0  }
0xf5: {  	[tilespmem:v34+s22+$0x0] =	vst.idx.add.f32.msk $0xffff, v1  }
0xf6: {  	[tilespmem:v34+s24+$0x0] =	vst.idx.add.f32.msk $0xffff, v2  }
0xf7: {  	s8 =	sadd.s32 $0x400, s8;
	[tilespmem:v34+s26+$0x0] =	vst.idx.add.f32.msk $0xffff, v3  }
0xf8: {  	s8 =	sshll.u32 s7, $0x9;
	p0 =	seq.s32 s7, $0x4E  }
0xf9: {  	s9 =	sadd.s32 @!p0 $0x200, s8  }
0xfa: {  	s11 =	simm.s32 @!p0 $0x0;
	s12 =	simm.s32 @!p0 $0x14000;
	s10 =	sadd.s32 @!p0 s3, s9  }
0xfb: {  	[tilespmem:s12], [sflag:$0x1] =	stream.linear.gather @!p0 [hbm4b:s10+s11], $0x800, $0x38;
	[tilespmem:$0x16000] =	vst v63  }
0xfc: {  	s9 =	sadd.s32 @!p0 s4, s9;
	s10 =	simm.s32 @!p0 $0x15000  }
0xfd: {  	[tilespmem:s10], [sflag:$0x3] =	stream.linear.gather @!p0 [hbm4b:s9+s11], $0x800, $0x38;
	[tilespmem:$0x16000] =	vst v63  }
0xfe: {  	_ =	swait.ge [sflag:s28], $0x800  }
0xff: {  	[sflag:s28] =	ssyncset.done $0x0  }
0x100: {  	[sflag:s28] =	ssyncadd.s32 $0xFFFFF800  }
0x101: {  	_ =	swait.ge [sflag:s29], $0x800  }
0x102: {  	[sflag:s29] =	ssyncset.done $0x0  }
0x103: {  	s9 =	simm.s32 $0x0;
	[sflag:s29] =	ssyncadd.s32 $0xFFFFF800  }
.LBB2_5:
0x104: {  	s10 =	sshra.s32 s9, $0x2  }
0x105: {  	v0 =	vld [tilespmem:s10+$0x14800]  }
0x106: {  	v1 =	vld [tilespmem:s10+$0x15800]  }
0x107: {  	v2 =	vld [tilespmem:s10+$0x14810]  }
0x108: {  	v3 =	vld [tilespmem:s10+$0x15810]  }
0x109: {  	v4 =	vld [tilespmem:s10+$0x14820]  }
0x10a: {  	v5 =	vld [tilespmem:s10+$0x15820]  }
0x10b: {  	v6 =	vld [tilespmem:s10+$0x14830]  }
0x10c: {  	v7 =	vld [tilespmem:s10+$0x15830]  }
0x10d: {  	v8 =	vld [tilespmem:s10+$0x14840]  }
0x10e: {  	v9 =	vld [tilespmem:s10+$0x15840]  }
0x10f: {  	v10 =	vld [tilespmem:s10+$0x14850]  }
0x110: {  	v11 =	vld [tilespmem:s10+$0x15850]  }
0x111: {  	v12 =	vld [tilespmem:s10+$0x14860]  }
0x112: {  	v13 =	vld [tilespmem:s10+$0x15860]  }
0x113: {  	v14 =	vld [tilespmem:s10+$0x14870]  }
0x114: {  	v15 =	vld [tilespmem:s10+$0x15870]  }
0x115: {  	v16 =	vld [tilespmem:s10+$0x14880]  }
0x116: {  	v17 =	vld [tilespmem:s10+$0x15880]  }
0x117: {  	v18 =	vld [tilespmem:s10+$0x14890]  }
0x118: {  	v19 =	vld [tilespmem:s10+$0x15890]  }
0x119: {  	v20 =	vld [tilespmem:s10+$0x148A0]  }
0x11a: {  	v21 =	vld [tilespmem:s10+$0x158A0]  }
0x11b: {  	v22 =	vld [tilespmem:s10+$0x148B0]  }
0x11c: {  	v23 =	vld [tilespmem:s10+$0x158B0]  }
0x11d: {  	v24 =	vld [tilespmem:s10+$0x148C0]  }
0x11e: {  	v25 =	vld [tilespmem:s10+$0x158C0]  }
0x11f: {  	v26 =	vld [tilespmem:s10+$0x148D0]  }
0x120: {  	v27 =	vld [tilespmem:s10+$0x158D0]  }
0x121: {  	v28 =	vld [tilespmem:s10+$0x148E0]  }
0x122: {  	v29 =	vld [tilespmem:s10+$0x158E0]  }
0x123: {  	v30 =	vld [tilespmem:s10+$0x148F0]  }
0x124: {  	v31 =	vld.idx.msk [tilespmem:v0+s2+$0x0], $0xffff  }
0x125: {  	v32 =	vld.idx.msk [tilespmem:v0+s21+$0x0], $0xffff  }
0x126: {  	v33 =	vld.idx.msk [tilespmem:v0+s23+$0x0], $0xffff  }
0x127: {  	v0 =	vld.idx.msk [tilespmem:v0+s25+$0x0], $0xffff  }
0x128: {  	v34 =	vld [tilespmem:s10+$0x158F0]  }
0x129: {  	[tilespmem:v1+s20+$0x0] =	vst.idx.add.f32.msk $0xffff, v31  }
0x12a: {  	[tilespmem:v1+s22+$0x0] =	vst.idx.add.f32.msk $0xffff, v32  }
0x12b: {  	[tilespmem:v1+s24+$0x0] =	vst.idx.add.f32.msk $0xffff, v33  }
0x12c: {  	[tilespmem:v1+s26+$0x0] =	vst.idx.add.f32.msk $0xffff, v0  }
0x12d: {  	v0 =	vld.idx.msk [tilespmem:v2+s2+$0x0], $0xffff  }
0x12e: {  	v1 =	vld.idx.msk [tilespmem:v2+s21+$0x0], $0xffff  }
0x12f: {  	v31 =	vld.idx.msk [tilespmem:v2+s23+$0x0], $0xffff  }
0x130: {  	v2 =	vld.idx.msk [tilespmem:v2+s25+$0x0], $0xffff;
	_ =	sdelay $0x1  }
0x131: {  	[tilespmem:v3+s20+$0x0] =	vst.idx.add.f32.msk $0xffff, v0  }
0x132: {  	[tilespmem:v3+s22+$0x0] =	vst.idx.add.f32.msk $0xffff, v1  }
0x133: {  	[tilespmem:v3+s24+$0x0] =	vst.idx.add.f32.msk $0xffff, v31  }
0x134: {  	[tilespmem:v3+s26+$0x0] =	vst.idx.add.f32.msk $0xffff, v2  }
0x135: {  	v0 =	vld.idx.msk [tilespmem:v4+s2+$0x0], $0xffff  }
0x136: {  	v1 =	vld.idx.msk [tilespmem:v4+s21+$0x0], $0xffff  }
0x137: {  	v2 =	vld.idx.msk [tilespmem:v4+s23+$0x0], $0xffff  }
0x138: {  	v3 =	vld.idx.msk [tilespmem:v4+s25+$0x0], $0xffff;
	_ =	sdelay $0x1  }
0x139: {  	[tilespmem:v5+s20+$0x0] =	vst.idx.add.f32.msk $0xffff, v0  }
0x13a: {  	[tilespmem:v5+s22+$0x0] =	vst.idx.add.f32.msk $0xffff, v1  }
0x13b: {  	[tilespmem:v5+s24+$0x0] =	vst.idx.add.f32.msk $0xffff, v2  }
0x13c: {  	[tilespmem:v5+s26+$0x0] =	vst.idx.add.f32.msk $0xffff, v3  }
0x13d: {  	v0 =	vld.idx.msk [tilespmem:v6+s2+$0x0], $0xffff  }
0x13e: {  	v1 =	vld.idx.msk [tilespmem:v6+s21+$0x0], $0xffff  }
0x13f: {  	v2 =	vld.idx.msk [tilespmem:v6+s23+$0x0], $0xffff  }
0x140: {  	v3 =	vld.idx.msk [tilespmem:v6+s25+$0x0], $0xffff;
	_ =	sdelay $0x1  }
0x141: {  	[tilespmem:v7+s20+$0x0] =	vst.idx.add.f32.msk $0xffff, v0  }
0x142: {  	[tilespmem:v7+s22+$0x0] =	vst.idx.add.f32.msk $0xffff, v1  }
0x143: {  	[tilespmem:v7+s24+$0x0] =	vst.idx.add.f32.msk $0xffff, v2  }
0x144: {  	[tilespmem:v7+s26+$0x0] =	vst.idx.add.f32.msk $0xffff, v3  }
0x145: {  	v0 =	vld.idx.msk [tilespmem:v8+s2+$0x0], $0xffff  }
0x146: {  	v1 =	vld.idx.msk [tilespmem:v8+s21+$0x0], $0xffff  }
0x147: {  	v2 =	vld.idx.msk [tilespmem:v8+s23+$0x0], $0xffff  }
0x148: {  	v3 =	vld.idx.msk [tilespmem:v8+s25+$0x0], $0xffff;
	_ =	sdelay $0x1  }
0x149: {  	[tilespmem:v9+s20+$0x0] =	vst.idx.add.f32.msk $0xffff, v0  }
0x14a: {  	[tilespmem:v9+s22+$0x0] =	vst.idx.add.f32.msk $0xffff, v1  }
0x14b: {  	[tilespmem:v9+s24+$0x0] =	vst.idx.add.f32.msk $0xffff, v2  }
0x14c: {  	[tilespmem:v9+s26+$0x0] =	vst.idx.add.f32.msk $0xffff, v3  }
0x14d: {  	v0 =	vld.idx.msk [tilespmem:v10+s2+$0x0], $0xffff  }
0x14e: {  	v1 =	vld.idx.msk [tilespmem:v10+s21+$0x0], $0xffff  }
0x14f: {  	v2 =	vld.idx.msk [tilespmem:v10+s23+$0x0], $0xffff  }
0x150: {  	v3 =	vld.idx.msk [tilespmem:v10+s25+$0x0], $0xffff;
	_ =	sdelay $0x1  }
0x151: {  	[tilespmem:v11+s20+$0x0] =	vst.idx.add.f32.msk $0xffff, v0  }
0x152: {  	[tilespmem:v11+s22+$0x0] =	vst.idx.add.f32.msk $0xffff, v1  }
0x153: {  	[tilespmem:v11+s24+$0x0] =	vst.idx.add.f32.msk $0xffff, v2  }
0x154: {  	[tilespmem:v11+s26+$0x0] =	vst.idx.add.f32.msk $0xffff, v3  }
0x155: {  	v0 =	vld.idx.msk [tilespmem:v12+s2+$0x0], $0xffff  }
0x156: {  	v1 =	vld.idx.msk [tilespmem:v12+s21+$0x0], $0xffff  }
0x157: {  	v2 =	vld.idx.msk [tilespmem:v12+s23+$0x0], $0xffff  }
0x158: {  	v3 =	vld.idx.msk [tilespmem:v12+s25+$0x0], $0xffff;
	_ =	sdelay $0x1  }
0x159: {  	[tilespmem:v13+s20+$0x0] =	vst.idx.add.f32.msk $0xffff, v0  }
0x15a: {  	[tilespmem:v13+s22+$0x0] =	vst.idx.add.f32.msk $0xffff, v1  }
0x15b: {  	[tilespmem:v13+s24+$0x0] =	vst.idx.add.f32.msk $0xffff, v2  }
0x15c: {  	[tilespmem:v13+s26+$0x0] =	vst.idx.add.f32.msk $0xffff, v3  }
0x15d: {  	v0 =	vld.idx.msk [tilespmem:v14+s2+$0x0], $0xffff  }
0x15e: {  	v1 =	vld.idx.msk [tilespmem:v14+s21+$0x0], $0xffff  }
0x15f: {  	v2 =	vld.idx.msk [tilespmem:v14+s23+$0x0], $0xffff  }
0x160: {  	v3 =	vld.idx.msk [tilespmem:v14+s25+$0x0], $0xffff;
	_ =	sdelay $0x1  }
0x161: {  	[tilespmem:v15+s20+$0x0] =	vst.idx.add.f32.msk $0xffff, v0  }
0x162: {  	[tilespmem:v15+s22+$0x0] =	vst.idx.add.f32.msk $0xffff, v1  }
0x163: {  	[tilespmem:v15+s24+$0x0] =	vst.idx.add.f32.msk $0xffff, v2  }
0x164: {  	[tilespmem:v15+s26+$0x0] =	vst.idx.add.f32.msk $0xffff, v3  }
0x165: {  	v0 =	vld.idx.msk [tilespmem:v16+s2+$0x0], $0xffff  }
0x166: {  	v1 =	vld.idx.msk [tilespmem:v16+s21+$0x0], $0xffff  }
0x167: {  	v2 =	vld.idx.msk [tilespmem:v16+s23+$0x0], $0xffff  }
0x168: {  	v3 =	vld.idx.msk [tilespmem:v16+s25+$0x0], $0xffff;
	_ =	sdelay $0x1  }
0x169: {  	[tilespmem:v17+s20+$0x0] =	vst.idx.add.f32.msk $0xffff, v0  }
0x16a: {  	[tilespmem:v17+s22+$0x0] =	vst.idx.add.f32.msk $0xffff, v1  }
0x16b: {  	[tilespmem:v17+s24+$0x0] =	vst.idx.add.f32.msk $0xffff, v2  }
0x16c: {  	[tilespmem:v17+s26+$0x0] =	vst.idx.add.f32.msk $0xffff, v3  }
0x16d: {  	v0 =	vld.idx.msk [tilespmem:v18+s2+$0x0], $0xffff  }
0x16e: {  	v1 =	vld.idx.msk [tilespmem:v18+s21+$0x0], $0xffff  }
0x16f: {  	v2 =	vld.idx.msk [tilespmem:v18+s23+$0x0], $0xffff  }
0x170: {  	v3 =	vld.idx.msk [tilespmem:v18+s25+$0x0], $0xffff;
	_ =	sdelay $0x1  }
0x171: {  	[tilespmem:v19+s20+$0x0] =	vst.idx.add.f32.msk $0xffff, v0  }
0x172: {  	[tilespmem:v19+s22+$0x0] =	vst.idx.add.f32.msk $0xffff, v1  }
0x173: {  	[tilespmem:v19+s24+$0x0] =	vst.idx.add.f32.msk $0xffff, v2  }
0x174: {  	[tilespmem:v19+s26+$0x0] =	vst.idx.add.f32.msk $0xffff, v3  }
0x175: {  	v0 =	vld.idx.msk [tilespmem:v20+s2+$0x0], $0xffff  }
0x176: {  	v1 =	vld.idx.msk [tilespmem:v20+s21+$0x0], $0xffff  }
0x177: {  	v2 =	vld.idx.msk [tilespmem:v20+s23+$0x0], $0xffff  }
0x178: {  	v3 =	vld.idx.msk [tilespmem:v20+s25+$0x0], $0xffff;
	_ =	sdelay $0x1  }
0x179: {  	[tilespmem:v21+s20+$0x0] =	vst.idx.add.f32.msk $0xffff, v0  }
0x17a: {  	[tilespmem:v21+s22+$0x0] =	vst.idx.add.f32.msk $0xffff, v1  }
0x17b: {  	[tilespmem:v21+s24+$0x0] =	vst.idx.add.f32.msk $0xffff, v2  }
0x17c: {  	[tilespmem:v21+s26+$0x0] =	vst.idx.add.f32.msk $0xffff, v3  }
0x17d: {  	v0 =	vld.idx.msk [tilespmem:v22+s2+$0x0], $0xffff  }
0x17e: {  	v1 =	vld.idx.msk [tilespmem:v22+s21+$0x0], $0xffff  }
0x17f: {  	v2 =	vld.idx.msk [tilespmem:v22+s23+$0x0], $0xffff  }
0x180: {  	v3 =	vld.idx.msk [tilespmem:v22+s25+$0x0], $0xffff;
	_ =	sdelay $0x1  }
0x181: {  	[tilespmem:v23+s20+$0x0] =	vst.idx.add.f32.msk $0xffff, v0  }
0x182: {  	[tilespmem:v23+s22+$0x0] =	vst.idx.add.f32.msk $0xffff, v1  }
0x183: {  	[tilespmem:v23+s24+$0x0] =	vst.idx.add.f32.msk $0xffff, v2  }
0x184: {  	[tilespmem:v23+s26+$0x0] =	vst.idx.add.f32.msk $0xffff, v3  }
0x185: {  	v0 =	vld.idx.msk [tilespmem:v24+s2+$0x0], $0xffff  }
0x186: {  	v1 =	vld.idx.msk [tilespmem:v24+s21+$0x0], $0xffff  }
0x187: {  	v2 =	vld.idx.msk [tilespmem:v24+s23+$0x0], $0xffff  }
0x188: {  	v3 =	vld.idx.msk [tilespmem:v24+s25+$0x0], $0xffff;
	_ =	sdelay $0x1  }
0x189: {  	[tilespmem:v25+s20+$0x0] =	vst.idx.add.f32.msk $0xffff, v0  }
0x18a: {  	[tilespmem:v25+s22+$0x0] =	vst.idx.add.f32.msk $0xffff, v1  }
0x18b: {  	[tilespmem:v25+s24+$0x0] =	vst.idx.add.f32.msk $0xffff, v2  }
0x18c: {  	[tilespmem:v25+s26+$0x0] =	vst.idx.add.f32.msk $0xffff, v3  }
0x18d: {  	v0 =	vld.idx.msk [tilespmem:v26+s2+$0x0], $0xffff  }
0x18e: {  	v1 =	vld.idx.msk [tilespmem:v26+s21+$0x0], $0xffff  }
0x18f: {  	v2 =	vld.idx.msk [tilespmem:v26+s23+$0x0], $0xffff  }
0x190: {  	v3 =	vld.idx.msk [tilespmem:v26+s25+$0x0], $0xffff;
	_ =	sdelay $0x1  }
0x191: {  	[tilespmem:v27+s20+$0x0] =	vst.idx.add.f32.msk $0xffff, v0  }
0x192: {  	[tilespmem:v27+s22+$0x0] =	vst.idx.add.f32.msk $0xffff, v1  }
0x193: {  	[tilespmem:v27+s24+$0x0] =	vst.idx.add.f32.msk $0xffff, v2  }
0x194: {  	[tilespmem:v27+s26+$0x0] =	vst.idx.add.f32.msk $0xffff, v3  }
0x195: {  	v0 =	vld.idx.msk [tilespmem:v28+s2+$0x0], $0xffff  }
0x196: {  	v1 =	vld.idx.msk [tilespmem:v28+s21+$0x0], $0xffff  }
0x197: {  	v2 =	vld.idx.msk [tilespmem:v28+s23+$0x0], $0xffff  }
0x198: {  	v3 =	vld.idx.msk [tilespmem:v28+s25+$0x0], $0xffff;
	_ =	sdelay $0x1  }
0x199: {  	[tilespmem:v29+s20+$0x0] =	vst.idx.add.f32.msk $0xffff, v0  }
0x19a: {  	[tilespmem:v29+s22+$0x0] =	vst.idx.add.f32.msk $0xffff, v1  }
0x19b: {  	[tilespmem:v29+s24+$0x0] =	vst.idx.add.f32.msk $0xffff, v2  }
0x19c: {  	[tilespmem:v29+s26+$0x0] =	vst.idx.add.f32.msk $0xffff, v3  }
0x19d: {  	v0 =	vld.idx.msk [tilespmem:v30+s2+$0x0], $0xffff  }
0x19e: {  	v1 =	vld.idx.msk [tilespmem:v30+s21+$0x0], $0xffff  }
0x19f: {  	v2 =	vld.idx.msk [tilespmem:v30+s23+$0x0], $0xffff  }
0x1a0: {  	p1 =	sne.s32 s9, $0x1C00;
	v3 =	vld.idx.msk [tilespmem:v30+s25+$0x0], $0xffff  }
.Ltmp3:
0x1a1: {  	_ = 	snop;
	(pc) =	sbr.rel @p1 .LBB2_5-.Ltmp3, $4  }
0x1a2: {  	[tilespmem:v34+s20+$0x0] =	vst.idx.add.f32.msk $0xffff, v0  }
0x1a3: {  	[tilespmem:v34+s22+$0x0] =	vst.idx.add.f32.msk $0xffff, v1  }
0x1a4: {  	[tilespmem:v34+s24+$0x0] =	vst.idx.add.f32.msk $0xffff, v2  }
0x1a5: {  	s9 =	sadd.s32 $0x400, s9;
	[tilespmem:v34+s26+$0x0] =	vst.idx.add.f32.msk $0xffff, v3  }
.Ltmp4:
0x1a6: {  	(pc) =	sbr.rel @p0 .LBB2_8-.Ltmp4, $1  }
0x1a7: {  	_ =	sdelay $0x3  }
.Ltmp5:
0x1a8: {  	s8 =	sadd.s32 $0x300, s8;
	(pc) =	sbr.rel .LBB2_2-.Ltmp5, $4  }
0x1a9: {  	s9 =	sadd.s32 s3, s8  }
0x1aa: {  	[tilespmem:s30], [sflag:$0x2] =	stream.linear.gather [hbm4b:s9+s2], $0x800, $0x38;
	[tilespmem:$0x16000] =	vst v63  }
0x1ab: {  	s7 =	sadd.s32 $0x1, s7;
	s8 =	sadd.s32 s4, s8  }
0x1ac: {  	[tilespmem:s31], [sflag:$0x4] =	stream.linear.gather [hbm4b:s8+s2], $0x800, $0x38;
	[tilespmem:$0x16000] =	vst v63  }
.LBB2_9:
0x1ad: {  	_ =	sfence.sel $0x180000  }
0x1ae: {  	[bflag:$0x0] =	sbarrier.arrive $0xFFFF  }
0x1af: {  	_ =	strace $0x9000004A  }
0x1b0: {  	s0 =	stileid.u32;
	[bflag:$0x2] =	sbarrier.arrive $0xFFFF  }
0x1b1: {  	p0 =	sne.s32 s0, $0x0;
	s0 =	rddreg [dreg:$0x1]  }
0x1b2: {  	s0 =	sadd.s32 @!p0 $0x100000, s0  }
0x1b3: {  	[sflag:s0] =	ssyncadd.tile.s32 @!p0 $0x1;
	_ =	shalt  }
.Lfunc_end2:
_tile_overlayer_lowered:
.L_overlay_start_2:
0x1b4: {  	(tag) =	ssettag $0x2  }
0x1b5: {  	s0 =	rddreg [dreg:$0x0];
	s2 =	stileid.u32  }
0x1b6: {  	s1 =	rddreg [dreg:$0x1];
	p0 =	sne.s32 s2, $0x0  }
0x1b7: {  	s3 =	rddreg [dreg:$0x2];
	[bflag:$0x3] =	sbarrier.arrive $0xFFFF;
	s2 =	simm.s32 @!p0 $0x1C05  }
0x1b8: {  	[timem:s3], [sflag:s2] =	dma.local @!p0 [hbm:s0], s1  }
0x1b9: {  	s0 =	simm.s32 @!p0 $0x5  }
0x1ba: {  	_ =	swait.ge @!p0 [sflag:s0], s1  }
0x1bb: {  	s1 =	ssub.s32 @!p0 $0x0, s1;
	[sflag:s0] =	ssyncset.done @!p0 $0x0  }
0x1bc: {  	[sflag:s0] =	ssyncadd.s32 @!p0 s1  }
0x1bd: {  	[bflag:$0x3] =	sbarrier.arrive $0xFFFF  }
0x1be: {  	_ =	shalt  }

// kernel: kernel.7.cloned.1.call-start
scs
__scs_entry_jumppad:
0x0: {  	(pc) =	sbr.rel $0x88, $3  }
0x1: {  	(tag) =	ssettag $0x0;
	lr =	simm.s32 $0x1  }
0x2: {  	[smem:$0x3F98] =	sst lr;
	_ =	strace $0xD0000000  }
0x3: {  	_ = 	snop  }
0x4: {  	_ = 	snop  }
0x5: {  	_ = 	snop  }
0x6: {  	_ = 	snop  }
0x7: {  	_ = 	snop  }
__scs_overlays_trampoline_lowered:
0x8: {  	[smem:$0x3FA7] =	sst s0  }
0x9: {  	[smem:$0x3FA8] =	sst s1  }
0xa: {  	[smem:$0x3FA9] =	sst s2  }
0xb: {  	[smem:$0x3FAA] =	sst s3  }
0xc: {  	[smem:$0x3FAB] =	sst s4  }
0xd: {  	[smem:$0x3FAC] =	sst s5  }
0xe: {  	[smem:$0x3FAD] =	sst s6  }
0xf: {  	[smem:$0x3FAE] =	sst s7  }
0x10: {  	[smem:$0x3FAF] =	sst s8  }
0x11: {  	[smem:$0x3FB0] =	sst s9;
	s0 =	simm.s32 @!p0 $0x0  }
0x12: {  	s1 =	sld [smem:$0x3F96];
	s0 =	simm.s32 @p0 $0x1  }
0x13: {  	[smem:$0x3FB1] =	sst s0;
	s0 =	simm.s32 @!p1 $0x0  }
0x14: {  	s2 =	sld [smem:$0x3F95];
	s0 =	simm.s32 @p1 $0x1  }
0x15: {  	[smem:$0x3FB2] =	sst s0;
	s0 =	simm.s32 @!p2 $0x0  }
0x16: {  	s3 =	sld [smem:$0x3FDB];
	s0 =	simm.s32 @p2 $0x1  }
0x17: {  	s4 =	simm.s32 $0x1BF5;
	[smem:$0x3FB4] =	sst s0  }
0x18: {  	s0 =	sld [smem:$0x3F97];
	_ =	swait.ge [sflag:s4], $0x0  }
0x19: {  	s7 =	sld [smem:$0x3F98]  }
0x1a: {  	s8 =	sadd.s32 $0xFFFFE003, lr  }
0x1b: {  	s9 =	sadd.s32 $0xFFFFFEF7, lr;
	s5 =	simm.s32 $0xFFFFFFFF;
	p2 =	slt.u32 s8, $0xFFFFF086  }
0x1c: {  	p1 =	slt.u32 s9, $0xF7A;
	s5 =	simm.s32 @!p2 $0x0  }
0x1d: {  	s5 =	simm.s32 @p1 $0x1;
	p0 =	seq.s32 s7, s2  }
0x1e: {  	s7 =	smul.u32 @!p0 $0xF7A, s2;
	p2 =	seq.s32 @!p0 s5, $0x0  }
0x1f: {  	s9 =	smul.u32 $0xF7A, s1;
	s8 =	simm.s32 @!p0 $0x1BF5;
	p2 =	por !p2, p0  }
0x20: {  	[sflag:s8] =	ssyncset.s32 @!p0 $0xFFFFF086;
	s6 =	sadd.s32 @!p0 s3, s7;
	s7 =	simm.s32 @!p0 $0x108  }
0x21: {  	s3 =	sadd.s32 s3, s9;
	s6 =	sadd.s32 @!p0 $0x88, s6;
	s7 =	simm.s32 @p2 $0x1082  }
0x22: {  	[simem:s7], [sflag:s8] =	dma.local @!p0 [hbm:s6], $0xF7A  }
0x23: {  	s9 =	sor.u32 $0xD0000000, s2;
	s6 =	simm.s32 $0x108;
	_ =	swait.ge @!p0 [sflag:s8], $0x0  }
0x24: {  	s3 =	sadd.s32 $0x88, s3;
	s6 =	simm.s32 @!p1 $0x1082;
	[sflag:s4] =	ssyncset.s32 $0xFFFFF086  }
0x25: {  	[simem:s6], [sflag:s4] =	dma.local [hbm:s3], $0xF7A  }
0x26: {  	[smem:$0x3F98] =	sst s1;
	(tag) =	ssettag s2;
	_ =	strace s9  }
0x27: {  	s1 =	sld [smem:$0x3FA8]  }
0x28: {  	s2 =	sld [smem:$0x3FA9]  }
0x29: {  	s4 =	sld [smem:$0x3FAB]  }
0x2a: {  	p0 =	seq.s32 s5, $0x0;
	s5 =	sld [smem:$0x3FAC]  }
0x2b: {  	s6 =	sld [smem:$0x3FAD]  }
0x2c: {  	s7 =	sld [smem:$0x3FAE]  }
0x2d: {  	s3 =	simm.s32 $0x108;
	s8 =	sld [smem:$0x3FAF]  }
0x2e: {  	s3 =	simm.s32 @!p0 $0x1082;
	s9 =	sld [smem:$0x3FB0]  }
0x2f: {  	lr =	sadd.s32 s0, s3;
	s0 =	sld [smem:$0x3FA7]  }
0x30: {  	s3 =	sld [smem:$0x3FAA]  }
0x31: {  	[smem:$0x3FB3] =	sst s10  }
0x32: {  	s10 =	sld [smem:$0x3FB1];
	_ =	sdelay $0x3  }
0x33: {  	p0 =	seq.s32 s10, $0x1;
	s10 =	sld [smem:$0x3FB3];
	_ =	sdelay $0x3  }
0x34: {  	[smem:$0x3FB3] =	sst s10  }
0x35: {  	s10 =	sld [smem:$0x3FB2];
	_ =	sdelay $0x3  }
0x36: {  	p1 =	seq.s32 s10, $0x1;
	s10 =	sld [smem:$0x3FB3];
	_ =	sdelay $0x3  }
0x37: {  	[smem:$0x3FB3] =	sst s10  }
0x38: {  	s10 =	sld [smem:$0x3FB4]  }
0x39: {  	_ = 	snop;
	(pc) =	sbr.ind lr, $3  }
0x3a: {  	_ = 	snop  }
0x3b: {  	_ = 	snop  }
0x3c: {  	p2 =	seq.s32 s10, $0x1;
	s10 =	sld [smem:$0x3FB3]  }
0x3d: {  	_ =	shalt  }
0x3e: {  	_ =	shalt  }
0x3f: {  	_ =	shalt  }
0x40: {  	_ =	shalt  }
0x41: {  	_ =	shalt  }
0x42: {  	_ =	shalt  }
0x43: {  	_ =	shalt  }
0x44: {  	_ =	shalt  }
0x45: {  	_ =	shalt  }
0x46: {  	_ =	shalt  }
0x47: {  	_ =	shalt  }
0x48: {  	_ =	shalt  }
0x49: {  	_ =	shalt  }
0x4a: {  	_ =	shalt  }
0x4b: {  	_ =	shalt  }
0x4c: {  	_ =	shalt  }
0x4d: {  	_ =	shalt  }
0x4e: {  	_ =	shalt  }
0x4f: {  	_ =	shalt  }
0x50: {  	_ =	shalt  }
0x51: {  	_ =	shalt  }
0x52: {  	_ =	shalt  }
0x53: {  	_ =	shalt  }
0x54: {  	_ =	shalt  }
0x55: {  	_ =	shalt  }
0x56: {  	_ =	shalt  }
0x57: {  	_ =	shalt  }
0x58: {  	_ =	shalt  }
0x59: {  	_ =	shalt  }
0x5a: {  	_ =	shalt  }
0x5b: {  	_ =	shalt  }
0x5c: {  	_ =	shalt  }
0x5d: {  	_ =	shalt  }
0x5e: {  	_ =	shalt  }
0x5f: {  	_ =	shalt  }
0x60: {  	_ =	shalt  }
0x61: {  	_ =	shalt  }
0x62: {  	_ =	shalt  }
0x63: {  	_ =	shalt  }
0x64: {  	_ =	shalt  }
0x65: {  	_ =	shalt  }
0x66: {  	_ =	shalt  }
0x67: {  	_ =	shalt  }
0x68: {  	_ =	shalt  }
0x69: {  	_ =	shalt  }
0x6a: {  	_ =	shalt  }
0x6b: {  	_ =	shalt  }
0x6c: {  	_ =	shalt  }
0x6d: {  	_ =	shalt  }
0x6e: {  	_ =	shalt  }
0x6f: {  	_ =	shalt  }
0x70: {  	_ =	shalt  }
0x71: {  	_ =	shalt  }
0x72: {  	_ =	shalt  }
0x73: {  	_ =	shalt  }
0x74: {  	_ =	shalt  }
0x75: {  	_ =	shalt  }
0x76: {  	_ =	shalt  }
0x77: {  	_ =	shalt  }
0x78: {  	_ =	shalt  }
0x79: {  	_ =	shalt  }
0x7a: {  	_ =	shalt  }
0x7b: {  	_ =	shalt  }
0x7c: {  	_ =	shalt  }
0x7d: {  	_ =	shalt  }
0x7e: {  	_ =	shalt  }
0x7f: {  	_ =	shalt  }
0x80: {  	_ =	shalt  }
0x81: {  	_ =	shalt  }
0x82: {  	_ =	shalt  }
0x83: {  	_ =	shalt  }
0x84: {  	_ =	shalt  }
0x85: {  	_ =	shalt  }
0x86: {  	_ =	shalt  }
0x87: {  	_ =	shalt  }
.Lfunc_end0:
.L_simem_size_0:
called_computation_lowered:
.L_overlay_start_0:
0x88: {  	s2 =	sld [smem:$0x3FD9]  }
0x89: {  	s3 =	sld [smem:$0x3FFE];
	_ =	sdelay $0x1  }
0x8a: {  	s1 =	srdreg.scid  }
0x8b: {  	s0 =	sand.u32 $0x1, s1  }
0x8c: {  	s16 =	sshll.u32 s0, $0xA;
	s2 =	sadd.s32 s3, s2  }
0x8d: {  	s2 =	sadd.s32 s2, s16  }
0x8e: {  	[smem:$0x3FBF] =	sst s2  }
0x8f: {  	_ = 	snop  }
0x90: {  	(tm) =	ssettm $0x1  }
0x91: {  	s17 =	sld [smem:$0x3FFB];
	_ =	sdelay $0x3  }
0x92: {  	_ =	strace s17  }
0x93: {  	s2 =	sld [smem:$0x3FFC];
	_ =	sdelay $0x3  }
0x94: {  	_ =	strace s2  }
0x95: {  	s2 =	sld [smem:$0x3FFD];
	_ =	sdelay $0x3  }
0x96: {  	_ =	strace s2  }
0x97: {  	_ =	strace $0x8FFFFFFF  }
0x98: {  	s18 =	sld [smem:$0x3FDB];
	_ =	sdelay $0x1  }
0x99: {  	s19 =	simm.s32 $_scs_section_size  }
0x9a: {  	s4 =	simm.s32 $_size__tile_overlayer_lowered;
	s5 =	simm.s32 $_tile_overlayer_lowered  }
0x9b: {  	s22 =	simm.s32 $0x1BFF;
	s21 =	sshll.u32 s5, $0x1;
	s2 =	sadd.s32 s19, s18  }
0x9c: {  	s6 =	simm.s32 $0x0;
	s20 =	sshll.u32 s4, $0x1;
	s4 =	sadd.s32 s21, s2  }
0x9d: {  	[timem:s6], [sflag:s22] =	dma.local [hbm:s4], s20  }
0x9e: {  	_ =	swait.ge [sflag:s22], s20  }
0x9f: {  	s3 =	ssub.s32 $0x0, s20;
	[sflag:s22] =	ssyncset.done $0x0  }
0xa0: {  	[sflag:s22] =	ssyncadd.s32 s3;
	_ =	sdelay $0x1  }
0xa1: {  	s23 =	simm.s32 $0x1B8B  }
0xa2: {  	_ =	swait.ge [sflag:s23], $0x1  }
0xa3: {  	[sflag:s23] =	ssyncset.done $0x0  }
0xa4: {  	s25 =	simm.s32 $0x1B8E;
	s24 =	sld [smem:$0x3FFE];
	[sflag:s23] =	ssyncadd.s32 $0xFFFFFFFF  }
0xa5: {  	s26 =	simm.s32 $execute0_lowered;
	[smem:$0x3FD2] =	sst s25  }
0xa6: {  	s4 =	sshll.u32 s26, $0x1;
	_ =	strace $0x80000046;
	[dreg:$0x1] =	wrdreg $0xFFFFFFFF  }
0xa7: {  	s28 =	simm.s32 $_size_execute0_lowered;
	s2 =	sadd.s32 s2, s4;
	[dreg:$0x0] =	wrdreg $0x0  }
0xa8: {  	s4 =	sshll.u32 s28, $0x1;
	[dreg:$0x2] =	wrdreg s2  }
0xa9: {  	[dreg:$0x3] =	wrdreg s4  }
0xaa: {  	[dreg:$0x4] =	wrdreg $0xC0  }
0xab: {  	_ =	task [dreg:s6], $0x5FFFF  }
0xac: {  	[dreg:$0x1] =	wrdreg $0xFFFFFFFF  }
0xad: {  	[dreg:$0x0] =	wrdreg $0x60  }
0xae: {  	[dreg:$0x2] =	wrdreg s24  }
0xaf: {  	[dreg:$0x3] =	wrdreg $0x9  }
0xb0: {  	_ =	task.clear_ibuf [dreg:s6], $0x4FFFF;
	_ =	strace $0x90000046  }
0xb1: {  	s29 =	simm.s32 $0x9;
	_ =	strace $0x80000048  }
0xb2: {  	_ =	swait.ge [sflag:s29], $0x1  }
0xb3: {  	[sflag:s29] =	ssyncadd.s32 $0xFFFFFFFF  }
0xb4: {  	_ =	strace $0x90000048  }
0xb5: {  	_ =	sfence  }
0xb6: {  	s30 =	sld [smem:$0x0];
	_ =	sdelay $0x2  }
0xb7: {  	s31 =	sshll.u32 s1, $0xD;
	s1 =	sshrl.u32 s1, $0x2  }
0xb8: {  	s3 =	sand.u32 $0x4000, s31;
	s1 =	sadd.s32 s1, s30  }
0xb9: {  	s0 =	sor.u32 s3, s0;
	s1 =	sshll.u32 s1, $0x11  }
0xba: {  	s0 =	sor.u32 s1, s0  }
0xbb: {  	s0 =	sadd.s32 $0x8F2B, s0  }
0xbc: {  	[sflag:s0] =	ssyncadd.remote.s32 $0x1  }
0xbd: {  	_ =	sfence.sel $0xFFFF  }
0xbe: {  	[dreg:$0x0] =	wrdreg $0xFFFFFFFF;
	(pc) =	sbr.abs _section_cstart, $3  }
0xbf: {  	[dreg:$0x1] =	wrdreg $0xFFFFFFFF  }
0xc0: {  	_ =	task.clear_ibuf [dreg:s6], $0x2FFFF;
	_ =	strace $0x9FFFFFFF  }
0xc1: {  	(tm) =	ssettm $0x7FFFFFFF  }
tec
execute0_lowered:
.L_overlay_start_1:
0x0: {  	(tag) =	ssettag $0x1  }
0x1: {  	s5 =	rddreg [dreg:$0x0]  }
0x2: {  	s0 =	srdreg.scid;
	s1 =	rddreg [dreg:$0x1]  }
0x3: {  	s2 =	simm.s32 $0x0;
	s9 =	simm.s32 $0x80;
	s3 =	sand.u32 $0x1, s0  }
0x4: {  	s10 =	simm.s32 $0x400;
	s0 =	stileid.u32;
	s4 =	smul.u32 $0x28000, s3  }
0x5: {  	s11 =	simm.s32 $0x0;
	s6 =	smul.u32 $0x2800, s0;
	s7 =	sshrl.u32 s0, $0x3  }
0x6: {  	[smem:$0x7FF] =	sst s2;
	s8 =	sshll.u32 s0, $0x7;
	s7 =	smul.u32 $0x14000, s7  }
0x7: {  	_ =	strace $0x80000047;
	s30 =	ssub.s32 $0x2, s3;
	s3 =	sadd.s32 $0x15A00, s5  }
0x8: {  	s29 =	sand.u32 $0x380, s8;
	s6 =	sadd.s32 s6, s4;
	s4 =	sadd.s32 s4, s7  }
0x9: {  	s31 =	sshrl.u32 s30, $0x1;
	s6 =	sshrl.u32 s6, $0x3;
	s4 =	sor.u32 s29, s4  }
0xa: {  	s8 =	simm.s32 $0x1;
	s6 =	sadd.s32 s6, s5;
	s4 =	sshrl.u32 s4, $0x3  }
0xb: {  	s7 =	ssub.s32 s30, s31;
	s5 =	sadd.s32 s4, s5;
	s4 =	sadd.s32 $0xBA00, s6  }
0xc: {  	v0 =	vimm.f32 $1.000000000e+00;
	s6 =	smax.u32 s7, $0x1;
	s7 =	simm.s32 $0x2800;
	s5 =	sadd.s32 $0x16000, s5  }
.LBB2_1:
0xd: {  	[tilespmem:s7], [sflag:$0x1] =	stream.linear.gather [hbm4b:s3+s2], $0x2800, $0x38;
	[tilespmem:$0x5000] =	vst v63  }
0xe: {  	_ =	swait.ge [sflag:s8], $0x2800  }
0xf: {  	[sflag:s8] =	ssyncset.done $0x0  }
0x10: {  	[sflag:s8] =	ssyncadd.s32 $0xFFFFD800  }
0x11: {  	[tilespmem:s2], [sflag:$0x1] =	stream.linear.gather [hbm4b:s4+s2], $0x2780, $0x38;
	[tilespmem:$0x5000] =	vst v63  }
0x12: {  	_ =	swait.ge [sflag:s8], $0x2780  }
0x13: {  	[sflag:s8] =	ssyncset.done $0x0  }
0x14: {  	s12 =	simm.s32 $0x0;
	[sflag:s8] =	ssyncadd.s32 $0xFFFFD880  }
0x15: {  	v2 =	vld [tilespmem:s12+$0x0]  }
0x16: {  	v3 =	vld [tilespmem:s12+$0x10]  }
0x17: {  	v4 =	vld [tilespmem:s12+$0x20]  }
0x18: {  	v5 =	vld [tilespmem:s12+$0x30]  }
0x19: {  	v6 =	vld [tilespmem:s12+$0x40]  }
0x1a: {  	v7 =	vld [tilespmem:s12+$0x50]  }
0x1b: {  	v8 =	vld [tilespmem:s12+$0x60]  }
0x1c: {  	v1 =	vld [tilespmem:s12+$0x70]  }
0x1d: {  	[tilespmem:v2+s7+$0x0] =	vst.idx.add.f32.msk $0xffff, v0  }
0x1e: {  	[tilespmem:v3+s7+$0x0] =	vst.idx.add.f32.msk $0xffff, v0  }
0x1f: {  	[tilespmem:v4+s7+$0x0] =	vst.idx.add.f32.msk $0xffff, v0  }
0x20: {  	[tilespmem:v5+s7+$0x0] =	vst.idx.add.f32.msk $0xffff, v0  }
0x21: {  	[tilespmem:v6+s7+$0x0] =	vst.idx.add.f32.msk $0xffff, v0  }
0x22: {  	[tilespmem:v7+s7+$0x0] =	vst.idx.add.f32.msk $0xffff, v0  }
0x23: {  	s12 =	simm.s32 $0x200;
	[tilespmem:v8+s7+$0x0] =	vst.idx.add.f32.msk $0xffff, v0  }
.LBB2_2:
0x24: {  	s13 =	sshra.s32 s12, $0x2;
	p0 =	sne.s32 s12, $0x9C00;
	s12 =	sadd.s32 $0x200, s12;
	[tilespmem:v1+s7+$0x0] =	vst.idx.add.f32.msk $0xffff, v0  }
0x25: {  	v2 =	vld [tilespmem:s13+$0x0]  }
0x26: {  	v3 =	vld [tilespmem:s13+$0x10]  }
0x27: {  	v4 =	vld [tilespmem:s13+$0x20]  }
0x28: {  	v5 =	vld [tilespmem:s13+$0x30]  }
0x29: {  	v6 =	vld [tilespmem:s13+$0x40]  }
0x2a: {  	v7 =	vld [tilespmem:s13+$0x50]  }
0x2b: {  	v8 =	vld [tilespmem:s13+$0x60]  }
0x2c: {  	v1 =	vld [tilespmem:s13+$0x70]  }
0x2d: {  	[tilespmem:v2+s7+$0x0] =	vst.idx.add.f32.msk $0xffff, v0  }
0x2e: {  	[tilespmem:v3+s7+$0x0] =	vst.idx.add.f32.msk $0xffff, v0  }
.Ltmp0:
0x2f: {  	[tilespmem:v4+s7+$0x0] =	vst.idx.add.f32.msk $0xffff, v0;
	(pc) =	sbr.rel @p0 .LBB2_2-.Ltmp0, $4  }
0x30: {  	[tilespmem:v5+s7+$0x0] =	vst.idx.add.f32.msk $0xffff, v0  }
0x31: {  	[tilespmem:v6+s7+$0x0] =	vst.idx.add.f32.msk $0xffff, v0  }
0x32: {  	[tilespmem:v7+s7+$0x0] =	vst.idx.add.f32.msk $0xffff, v0  }
0x33: {  	[tilespmem:v8+s7+$0x0] =	vst.idx.add.f32.msk $0xffff, v0  }
0x34: {  	_ =	sdelay $0x1  }
0x35: {  	s11 =	sadd.s32 $0x1, s11  }
0x36: {  	p0 =	sne.s32 s11, s6  }
.Ltmp1:
0x37: {  	[tilespmem:v1+s7+$0x0] =	vst.idx.add.f32.msk $0xffff, v0;
	(pc) =	sbr.rel @p0 .LBB2_1-.Ltmp1, $4  }
0x38: {  	[hbm4b:s5+s9] =	stream.strided.scatter [tilespmem:s7], [sflag:$0x1], $0x2800, s10, s9, $0x38;
	[tilespmem:$0x5000] =	vst v63  }
0x39: {  	_ =	swait.ge [sflag:s8], $0x2800  }
0x3a: {  	[sflag:s8] =	ssyncset.done $0x0  }
0x3b: {  	[sflag:s8] =	ssyncadd.s32 $0xFFFFD800  }
0x3c: {  	_ =	sfence.sel $0x180000  }
0x3d: {  	[bflag:$0x0] =	sbarrier.arrive $0xFFFF  }
0x3e: {  	p0 =	sne.s32 s0, $0x0;
	_ =	strace $0x90000047  }
0x3f: {  	s0 =	sadd.s32 @!p0 $0x100000, s1;
	[bflag:$0x2] =	sbarrier.arrive $0xFFFF  }
0x40: {  	[sflag:s0] =	ssyncadd.tile.s32 @!p0 $0x1;
	_ =	shalt  }
.Lfunc_end2:
_tile_overlayer_lowered:
.L_overlay_start_2:
0x41: {  	(tag) =	ssettag $0x2  }
0x42: {  	s0 =	rddreg [dreg:$0x0];
	s2 =	stileid.u32  }
0x43: {  	s1 =	rddreg [dreg:$0x1];
	p0 =	sne.s32 s2, $0x0  }
0x44: {  	s3 =	rddreg [dreg:$0x2];
	[bflag:$0x3] =	sbarrier.arrive $0xFFFF;
	s2 =	simm.s32 @!p0 $0x1C01  }
0x45: {  	[timem:s3], [sflag:s2] =	dma.local @!p0 [hbm:s0], s1  }
0x46: {  	s0 =	simm.s32 @!p0 $0x1  }
0x47: {  	_ =	swait.ge @!p0 [sflag:s0], s1  }
0x48: {  	s1 =	ssub.s32 @!p0 $0x0, s1;
	[sflag:s0] =	ssyncset.done @!p0 $0x0  }
0x49: {  	[sflag:s0] =	ssyncadd.s32 @!p0 s1  }
0x4a: {  	[bflag:$0x3] =	sbarrier.arrive $0xFFFF  }
0x4b: {  	_ =	shalt  }

</sc_bundles>
